<compile_context>
chip_gen: v7x
topology: tpu7x:2x2x1
jax: 0.10.2.dev20260603
libtpu: 0.0.44.dev20260713+nightly
codegen_flags: <defaults>
</compile_context>

<pallas_src>
import functools
import math

import jax
import jax.numpy as jnp
from jax import lax
from jax.experimental import pallas as pl
from jax.experimental.pallas import tpu as pltpu
from jax.experimental.pallas import tpu_sc as plsc

D = 64
NC, NS = 2, 16
NW = NC * NS
LANES = 16
SCALE = math.sqrt(D)

BT = 128
NI = 4
NG = 4
NO = 2


@jax.jit
def _convert(tab_t, tail2):
    Dc, V = tab_t.shape
    NRB = V // 128
    TAIL = (V - NRB * 128) // 2
    TAIL_W = NRB % NW
    NB, NOUT = 4, 2
    n_iter = (NRB + NW - 1) // NW
    n_iter = ((n_iter + NB - 1) // NB) * NB

    mesh = plsc.VectorSubcoreMesh(core_axis_name="c", subcore_axis_name="s")

    @functools.partial(
        pl.kernel,
        out_type=jax.ShapeDtypeStruct((V // 2, 2 * Dc), jnp.float32),
        mesh=mesh,
        scratch_types=[
            [pltpu.VMEM((Dc, 128), jnp.float32) for _ in range(NB)],
            [pltpu.VMEM((64, 2 * Dc), jnp.float32) for _ in range(NOUT)],
            [pltpu.SemaphoreType.DMA for _ in range(NB)],
            [pltpu.SemaphoreType.DMA for _ in range(NOUT)],
        ],
        compiler_params=pltpu.CompilerParams(
            use_tc_tiling_on_sc=True, needs_layout_passes=False
        ),
    )
    def kc(tt_hbm, tail_hbm, tr_hbm, ibufs, obufs, isems, ssems):
        wid = lax.axis_index("s") * NC + lax.axis_index("c")
        iota = lax.iota(jnp.int32, LANES)

        def rblk(kk):
            return wid + kk * NW

        def in_src(kk):
            return tt_hbm.at[:, pl.ds(rblk(kk) * 128, 128)]

        def out_dst(kk):
            return tr_hbm.at[pl.ds(rblk(kk) * 64, 64)]

        def start_in(kk, s):
            pltpu.async_copy(in_src(kk), ibufs[s], isems[s])

        def wait_in(kk, s):
            pltpu.make_async_copy(in_src(kk), ibufs[s], isems[s]).wait()

        def start_out(kk, s):
            pltpu.async_copy(obufs[s], out_dst(kk), ssems[s])

        def wait_out(kk, s):
            pltpu.make_async_copy(obufs[s], out_dst(kk), ssems[s]).wait()

        def transpose(s_i, s_o, n_q):
            def q_body(q, carry):
                r0 = (q >> 2) << 4
                c0 = (q & 3) << 4
                rv = r0 + iota
                lfv = rv >> 1
                hv = (rv & 1) << 6

                @plsc.parallel_loop(0, LANES, step=1, unroll=4)
                def _t(t, _rv=rv, _lfv=lfv, _hv=hv, _c0=c0, _s_i=s_i,
                       _s_o=s_o):
                    rot = (iota + t) & 15
                    cv = _c0 + rot
                    vals = plsc.load_gather(ibufs[_s_i], [cv, _rv])
                    plsc.store_scatter(obufs[_s_o], [_lfv, _hv + cv], vals)
                return carry

            lax.fori_loop(0, n_q, q_body, 0)

        for m in range(NB):
            @pl.when(rblk(m) < NRB)
            def _(_m=m):
                start_in(_m, _m)

        def outer(o, carry):
            k0 = o * NB
            for u in range(NB):
                kk = k0 + u
                s_o = u % NOUT

                @pl.when(rblk(kk) < NRB)
                def _(_kk=kk, _u=u, _s_o=s_o):
                    wait_in(_kk, _u)

                    @pl.when(_kk >= NOUT)
                    def _():
                        wait_out(_kk - NOUT, _s_o)

                    transpose(_u, _s_o, 32)
                    start_out(_kk, _s_o)

                @pl.when(rblk(kk + NB) < NRB)
                def _(_kk=kk, _u=u):
                    start_in(_kk + NB, _u)
            return carry

        lax.fori_loop(0, n_iter // NB, outer, 0)

        n_valid = (NRB - wid + NW - 1) >> 5
        for s in range(NOUT):
            @pl.when(n_valid > s)
            def _(_s=s):
                kl = n_valid - 1 - ((n_valid - 1 - _s) & 1)
                wait_out(kl, _s)

        if TAIL:
            @pl.when(wid == TAIL_W)
            def _():
                pltpu.sync_copy(tail_hbm, obufs[0].at[pl.ds(0, TAIL)])
                pltpu.sync_copy(
                    obufs[0].at[pl.ds(0, TAIL)],
                    tr_hbm.at[pl.ds(NRB * 64, TAIL)],
                )

    return kc(tab_t, tail2)


@jax.jit
def _embed(xt, tab2):
    H, B = xt.shape
    n_bt = B // BT
    bt_per_w = n_bt // NW
    assert bt_per_w == 4
    n_blocks = H * bt_per_w

    mesh = plsc.VectorSubcoreMesh(core_axis_name="c", subcore_axis_name="s")

    @functools.partial(
        pl.kernel,
        out_type=jax.ShapeDtypeStruct((H, D, B), jnp.float32),
        mesh=mesh,
        scratch_types=[
            [pltpu.VMEM((BT,), jnp.int32) for _ in range(NI)],
            [pltpu.VMEM((BT,), jnp.int32) for _ in range(NG)],
            [pltpu.VMEM((BT,), jnp.int32) for _ in range(NG)],
            [pltpu.VMEM((BT, 128), jnp.float32) for _ in range(NG)],
            [pltpu.VMEM((D, BT), jnp.float32) for _ in range(NO)],
            [pltpu.SemaphoreType.DMA for _ in range(NI)],
            [pltpu.SemaphoreType.DMA for _ in range(NG)],
            [pltpu.SemaphoreType.DMA for _ in range(NO)],
        ],
        compiler_params=pltpu.CompilerParams(
            use_tc_tiling_on_sc=True, needs_layout_passes=False
        ),
    )
    def k(xt_hbm, tab_hbm, out_hbm, ibufs, fbufs, hbufs, gbufs, obufs,
          isems, gsems, ssems):
        wid = lax.axis_index("s") * NC + lax.axis_index("c")
        iota = lax.iota(jnp.int32, LANES)

        def block_hb(kk):
            h = kk >> 2
            b0 = wid * (bt_per_w * BT) + (kk & (bt_per_w - 1)) * BT
            return h, b0

        def idx_src(kk):
            h, b0 = block_hb(kk)
            return xt_hbm.at[h, pl.ds(b0, BT)]

        def out_dst(kk):
            h, b0 = block_hb(kk)
            return out_hbm.at[h, :, pl.ds(b0, BT)]

        def start_idx(kk, s):
            pltpu.async_copy(idx_src(kk), ibufs[s], isems[s])

        def wait_idx(kk, s):
            pltpu.make_async_copy(idx_src(kk), ibufs[s], isems[s]).wait()

        def start_gather(s_i, s_g):
            for jg in range(BT // LANES):
                sl = pl.ds(jg * LANES, LANES)
                r = ibufs[s_i][sl]
                fbufs[s_g][sl] = r >> 1
                hbufs[s_g][sl] = (r & 1) << 6
            pltpu.async_copy(tab_hbm.at[fbufs[s_g]], gbufs[s_g], gsems[s_g])

        def wait_gather(s_g):
            pltpu.make_async_copy(
                tab_hbm.at[fbufs[s_g]], gbufs[s_g], gsems[s_g]
            ).wait()

        def start_store(kk, s_o):
            pltpu.async_copy(obufs[s_o], out_dst(kk), ssems[s_o])

        def wait_store(kk, s_o):
            pltpu.make_async_copy(obufs[s_o], out_dst(kk), ssems[s_o]).wait()

        def transpose_block(s_g, s_o):
            def jg_body(jg, carry):
                sl = pl.ds(jg * LANES, LANES)
                rowv = iota + jg * LANES
                colb = hbufs[s_g][sl]

                @plsc.parallel_loop(0, D, step=1, unroll=4)
                def _dd(m, _rowv=rowv, _colb=colb, _s_g=s_g, _s_o=s_o):
                    rd = ((iota + m) & 15) + (m & 48)
                    vals = plsc.load_gather(
                        gbufs[_s_g], [_rowv, _colb + rd]
                    )
                    plsc.store_scatter(
                        obufs[_s_o], [rd, _rowv], vals * SCALE
                    )
                return carry

            lax.fori_loop(0, BT // LANES, jg_body, 0)

        for m in range(NI):
            start_idx(m, m)
        for m in range(NG):
            wait_idx(m, m)
            start_gather(m, m)
            start_idx(m + NI, m)

        n_outer = n_blocks // NI

        def outer(o, carry):
            k0 = o * NI
            for u in range(NI):
                kk = k0 + u
                s_g, s_o = u % NG, u % NO
                wait_gather(s_g)

                @pl.when(kk >= NO)
                def _(_kk=kk, _s_o=s_o):
                    wait_store(_kk - NO, _s_o)

                transpose_block(s_g, s_o)
                start_store(kk, s_o)

                @pl.when(kk + NG < n_blocks)
                def _(_kk=kk, _u=u):
                    wait_idx(_kk + NG, _u)
                    start_gather(_u, (_u + NG) % NG)

                @pl.when(kk + NI + NG < n_blocks)
                def _(_kk=kk, _u=u):
                    start_idx(_kk + NI + NG, _u)
            return carry

        lax.fori_loop(0, n_outer, outer, 0)

        for m in range(NO):
            kk = n_blocks - NO + m
            wait_store(kk, kk % NO)

    return k(xt, tab2)


def kernel(X, embedding_matrix):
    xt = X.T.astype(jnp.int32)
    ncut = (embedding_matrix.shape[0] // 128) * 128
    tail2 = embedding_matrix[ncut:].reshape(-1, 2 * D)
    tab2 = _convert(embedding_matrix.T, tail2)
    out_t = _embed(xt, tab2)
    return jnp.transpose(out_t, (2, 0, 1))

# --- scband reference (transcript-rebuilt; emitter-appended) ---
"""Pipeline reference for scband-embedding-18184891531860 (READ-ONLY COPY).

The authoritative reference and input builder live on the scoring server;
editing this copy changes nothing except your own understanding.
"""

import math
import jax, jax.numpy as jnp
import numpy as np

VOCAB = 1000000
D_MODEL = 64
BATCH = 16384
HIST = 50

def setup_inputs(seed: int = 0) -> dict:
    key = jax.random.key(seed)
    k_idx, k_tab = jax.random.split(key)
    X = jax.random.randint(k_idx, (BATCH, HIST), 0, VOCAB, dtype=jnp.int64 if jax.config.read('jax_enable_x64') else jnp.int32)
    embedding_matrix = jax.random.normal(k_tab, (VOCAB, D_MODEL), dtype=jnp.float32)
    return {"X": X, "embedding_matrix": embedding_matrix}

def reference(X, embedding_matrix):
    # Faithful translation: nn.Embedding lookup scaled by sqrt(d_model)
    out = jnp.take(embedding_matrix, X, axis=0)
    return out * math.sqrt(D_MODEL)

if __name__ == "__main__":
    import jax
    _d = setup_inputs()
    print(jax.jit(kernel)(*tuple(_d.values())))

</pallas_src>

<mosaic_0001>
#map = affine_map<(d0, d1) -> (0, 0)>
module attributes {stable_mosaic.version = 14 : i64} {
  func.func @kc(%arg0: i32, %arg1: i32, %arg2: memref<64x1000000xf32, #tpu.memory_space<hbm>>, %arg3: memref<32x128xf32, #tpu.memory_space<hbm>>, %arg4: memref<500000x128xf32, #tpu.memory_space<hbm>>, %arg5: memref<64x128xf32, #tpu.memory_space<vmem>>, %arg6: memref<64x128xf32, #tpu.memory_space<vmem>>, %arg7: memref<64x128xf32, #tpu.memory_space<vmem>>, %arg8: memref<64x128xf32, #tpu.memory_space<vmem>>, %arg9: memref<64x128xf32, #tpu.memory_space<vmem>>, %arg10: memref<64x128xf32, #tpu.memory_space<vmem>>, %arg11: memref<!tpu.dma_semaphore, #tpu.memory_space<semaphore_mem>>, %arg12: memref<!tpu.dma_semaphore, #tpu.memory_space<semaphore_mem>>, %arg13: memref<!tpu.dma_semaphore, #tpu.memory_space<semaphore_mem>>, %arg14: memref<!tpu.dma_semaphore, #tpu.memory_space<semaphore_mem>>, %arg15: memref<!tpu.dma_semaphore, #tpu.memory_space<semaphore_mem>>, %arg16: memref<!tpu.dma_semaphore, #tpu.memory_space<semaphore_mem>>) attributes {dimension_semantics = [#tpu.dimension_semantics<core_parallel>, #tpu.dimension_semantics<subcore_parallel>], iteration_bounds = array<i64: 2, 16>, scalar_prefetch = 0 : i64, scratch_operands = 12 : i64, tpu.core_type = #tpu.core_type<sc_vector_subcore>, window_params = [{transform_indices = #map}, {transform_indices = #map}, {transform_indices = #map}]} {
    %mul3A = arith.constant 2 : i32
    %mul3A_0 = arith.muli %arg1, %mul3A : i32
    %add3A = arith.addi %mul3A_0, %arg0 : i32
    %iota3A = tpu.iota {dimensions = array<i32: 0>} : vector<16xi32>
    %add3A_1 = arith.constant 0 : i32
    %add3A_2 = arith.addi %add3A, %add3A_1 : i32
    %lt3A = arith.constant 7812 : i32
    %lt3A_3 = arith.cmpi slt, %add3A_2, %lt3A : i32
    %convert_element_type3A = arith.extui %lt3A_3 : i1 to i32
    %cond3A = arith.constant 0 : i32
    %cond3A_4 = arith.cmpi ne, %convert_element_type3A, %cond3A : i32
    scf.if %cond3A_4 {
      %add3A_50 = arith.constant 0 : i32
      %add3A_51 = arith.addi %add3A, %add3A_50 : i32
      %mul3A_52 = arith.constant 128 : i32
      %mul3A_53 = arith.muli %add3A_51, %mul3A_52 : i32
      %dma_start3A = arith.constant 0 : i32
      %dma_start3A_54 = tpu.memref_slice %arg2[%dma_start3A, %mul3A_53] : memref<64x1000000xf32, #tpu.memory_space<hbm>> -> memref<64x128xf32, #tpu.memory_space<hbm>>
      %dma_start3A_55 = arith.constant 0 : i32
      %dma_start3A_56 = tpu.memref_slice %arg2[%dma_start3A_55, %mul3A_53] : memref<64x1000000xf32, #tpu.memory_space<hbm>> -> memref<64x128xf32, #tpu.memory_space<hbm>>
      tpu.enqueue_dma source(%dma_start3A_56 : memref<64x128xf32, #tpu.memory_space<hbm>>) target(%arg5 : memref<64x128xf32, #tpu.memory_space<vmem>>) target_semaphore(%arg11 : memref<!tpu.dma_semaphore, #tpu.memory_space<semaphore_mem>>)
    } else {
    }
    %add3A_5 = arith.constant 32 : i32
    %add3A_6 = arith.addi %add3A, %add3A_5 : i32
    %lt3A_7 = arith.constant 7812 : i32
    %lt3A_8 = arith.cmpi slt, %add3A_6, %lt3A_7 : i32
    %convert_element_type3A_9 = arith.extui %lt3A_8 : i1 to i32
    %cond3A_10 = arith.constant 0 : i32
    %cond3A_11 = arith.cmpi ne, %convert_element_type3A_9, %cond3A_10 : i32
    scf.if %cond3A_11 {
      %add3A_50 = arith.constant 32 : i32
      %add3A_51 = arith.addi %add3A, %add3A_50 : i32
      %mul3A_52 = arith.constant 128 : i32
      %mul3A_53 = arith.muli %add3A_51, %mul3A_52 : i32
      %dma_start3A = arith.constant 0 : i32
      %dma_start3A_54 = tpu.memref_slice %arg2[%dma_start3A, %mul3A_53] : memref<64x1000000xf32, #tpu.memory_space<hbm>> -> memref<64x128xf32, #tpu.memory_space<hbm>>
      %dma_start3A_55 = arith.constant 0 : i32
      %dma_start3A_56 = tpu.memref_slice %arg2[%dma_start3A_55, %mul3A_53] : memref<64x1000000xf32, #tpu.memory_space<hbm>> -> memref<64x128xf32, #tpu.memory_space<hbm>>
      tpu.enqueue_dma source(%dma_start3A_56 : memref<64x128xf32, #tpu.memory_space<hbm>>) target(%arg6 : memref<64x128xf32, #tpu.memory_space<vmem>>) target_semaphore(%arg12 : memref<!tpu.dma_semaphore, #tpu.memory_space<semaphore_mem>>)
    } else {
    }
    %add3A_12 = arith.constant 64 : i32
    %add3A_13 = arith.addi %add3A, %add3A_12 : i32
    %lt3A_14 = arith.constant 7812 : i32
    %lt3A_15 = arith.cmpi slt, %add3A_13, %lt3A_14 : i32
    %convert_element_type3A_16 = arith.extui %lt3A_15 : i1 to i32
    %cond3A_17 = arith.constant 0 : i32
    %cond3A_18 = arith.cmpi ne, %convert_element_type3A_16, %cond3A_17 : i32
    scf.if %cond3A_18 {
      %add3A_50 = arith.constant 64 : i32
      %add3A_51 = arith.addi %add3A, %add3A_50 : i32
      %mul3A_52 = arith.constant 128 : i32
      %mul3A_53 = arith.muli %add3A_51, %mul3A_52 : i32
      %dma_start3A = arith.constant 0 : i32
      %dma_start3A_54 = tpu.memref_slice %arg2[%dma_start3A, %mul3A_53] : memref<64x1000000xf32, #tpu.memory_space<hbm>> -> memref<64x128xf32, #tpu.memory_space<hbm>>
      %dma_start3A_55 = arith.constant 0 : i32
      %dma_start3A_56 = tpu.memref_slice %arg2[%dma_start3A_55, %mul3A_53] : memref<64x1000000xf32, #tpu.memory_space<hbm>> -> memref<64x128xf32, #tpu.memory_space<hbm>>
      tpu.enqueue_dma source(%dma_start3A_56 : memref<64x128xf32, #tpu.memory_space<hbm>>) target(%arg7 : memref<64x128xf32, #tpu.memory_space<vmem>>) target_semaphore(%arg13 : memref<!tpu.dma_semaphore, #tpu.memory_space<semaphore_mem>>)
    } else {
    }
    %add3A_19 = arith.constant 96 : i32
    %add3A_20 = arith.addi %add3A, %add3A_19 : i32
    %lt3A_21 = arith.constant 7812 : i32
    %lt3A_22 = arith.cmpi slt, %add3A_20, %lt3A_21 : i32
    %convert_element_type3A_23 = arith.extui %lt3A_22 : i1 to i32
    %cond3A_24 = arith.constant 0 : i32
    %cond3A_25 = arith.cmpi ne, %convert_element_type3A_23, %cond3A_24 : i32
    scf.if %cond3A_25 {
      %add3A_50 = arith.constant 96 : i32
      %add3A_51 = arith.addi %add3A, %add3A_50 : i32
      %mul3A_52 = arith.constant 128 : i32
      %mul3A_53 = arith.muli %add3A_51, %mul3A_52 : i32
      %dma_start3A = arith.constant 0 : i32
      %dma_start3A_54 = tpu.memref_slice %arg2[%dma_start3A, %mul3A_53] : memref<64x1000000xf32, #tpu.memory_space<hbm>> -> memref<64x128xf32, #tpu.memory_space<hbm>>
      %dma_start3A_55 = arith.constant 0 : i32
      %dma_start3A_56 = tpu.memref_slice %arg2[%dma_start3A_55, %mul3A_53] : memref<64x1000000xf32, #tpu.memory_space<hbm>> -> memref<64x128xf32, #tpu.memory_space<hbm>>
      tpu.enqueue_dma source(%dma_start3A_56 : memref<64x128xf32, #tpu.memory_space<hbm>>) target(%arg8 : memref<64x128xf32, #tpu.memory_space<vmem>>) target_semaphore(%arg14 : memref<!tpu.dma_semaphore, #tpu.memory_space<semaphore_mem>>)
    } else {
    }
    %scan3A = arith.constant 0 : i32
    %scan3A_26 = arith.constant 0 : i32
    %scan3A_27 = arith.constant 62 : i32
    %scan3A_28 = arith.addi %scan3A_26, %scan3A_27 : i32
    %scan3A_29 = arith.constant 1 : i32
    scf.for %scan3A_50 = %scan3A_26 to %scan3A_28 step %scan3A_29  : i32 {
      %mul3A_51 = arith.constant 4 : i32
      %mul3A_52 = arith.muli %scan3A_50, %mul3A_51 : i32
      %add3A_53 = arith.constant 0 : i32
      %add3A_54 = arith.addi %mul3A_52, %add3A_53 : i32
      %mul3A_55 = arith.constant 32 : i32
      %mul3A_56 = arith.muli %add3A_54, %mul3A_55 : i32
      %add3A_57 = arith.addi %add3A, %mul3A_56 : i32
      %lt3A_58 = arith.constant 7812 : i32
      %lt3A_59 = arith.cmpi slt, %add3A_57, %lt3A_58 : i32
      %convert_element_type3A_60 = arith.extui %lt3A_59 : i1 to i32
      %cond3A_61 = arith.constant 0 : i32
      %cond3A_62 = arith.cmpi ne, %convert_element_type3A_60, %cond3A_61 : i32
      scf.if %cond3A_62 {
        %mul3A_133 = arith.constant 32 : i32
        %mul3A_134 = arith.muli %add3A_54, %mul3A_133 : i32
        %add3A_135 = arith.addi %add3A, %mul3A_134 : i32
        %mul3A_136 = arith.constant 128 : i32
        %mul3A_137 = arith.muli %add3A_135, %mul3A_136 : i32
        %dma_wait3A = arith.constant 0 : i32
        %dma_wait3A_138 = tpu.memref_slice %arg2[%dma_wait3A, %mul3A_137] : memref<64x1000000xf32, #tpu.memory_space<hbm>> -> memref<64x128xf32, #tpu.memory_space<hbm>>
        %dma_wait3A_139 = arith.constant 0 : i32
        %dma_wait3A_140 = tpu.memref_slice %arg2[%dma_wait3A_139, %mul3A_137] : memref<64x1000000xf32, #tpu.memory_space<hbm>> -> memref<64x128xf32, #tpu.memory_space<hbm>>
        tpu.wait_dma2 semaphore(%arg11 : memref<!tpu.dma_semaphore, #tpu.memory_space<semaphore_mem>>) src(%dma_wait3A_140 : memref<64x128xf32, #tpu.memory_space<hbm>>) dst(%arg5 : memref<64x128xf32, #tpu.memory_space<vmem>>)
        %ge3A = arith.constant 2 : i32
        %ge3A_141 = arith.cmpi sge, %add3A_54, %ge3A : i32
        %convert_element_type3A_142 = arith.extui %ge3A_141 : i1 to i32
        %cond3A_143 = arith.constant 0 : i32
        %cond3A_144 = arith.cmpi ne, %convert_element_type3A_142, %cond3A_143 : i32
        scf.if %cond3A_144 {
          %sub3A_159 = arith.constant 2 : i32
          %sub3A_160 = arith.subi %add3A_54, %sub3A_159 : i32
          %mul3A_161 = arith.constant 32 : i32
          %mul3A_162 = arith.muli %sub3A_160, %mul3A_161 : i32
          %add3A_163 = arith.addi %add3A, %mul3A_162 : i32
          %mul3A_164 = arith.constant 64 : i32
          %mul3A_165 = arith.muli %add3A_163, %mul3A_164 : i32
          %dma_wait3A_166 = arith.constant 0 : i32
          %dma_wait3A_167 = tpu.memref_slice %arg4[%mul3A_165, %dma_wait3A_166] : memref<500000x128xf32, #tpu.memory_space<hbm>> -> memref<64x128xf32, #tpu.memory_space<hbm>>
          %dma_wait3A_168 = arith.constant 0 : i32
          %dma_wait3A_169 = tpu.memref_slice %arg4[%mul3A_165, %dma_wait3A_168] : memref<500000x128xf32, #tpu.memory_space<hbm>> -> memref<64x128xf32, #tpu.memory_space<hbm>>
          tpu.wait_dma2 semaphore(%arg15 : memref<!tpu.dma_semaphore, #tpu.memory_space<semaphore_mem>>) src(%arg9 : memref<64x128xf32, #tpu.memory_space<vmem>>) dst(%dma_wait3A_169 : memref<64x128xf32, #tpu.memory_space<hbm>>)
        } else {
        }
        %scan3A_145 = arith.constant 0 : i32
        %scan3A_146 = arith.constant 0 : i32
        %scan3A_147 = arith.constant 32 : i32
        %scan3A_148 = arith.addi %scan3A_146, %scan3A_147 : i32
        %scan3A_149 = arith.constant 1 : i32
        scf.for %scan3A_159 = %scan3A_146 to %scan3A_148 step %scan3A_149  : i32 {
          %shift_right_arithmetic3A_160 = arith.constant 2 : i32
          %shift_right_arithmetic3A_161 = arith.shrsi %scan3A_159, %shift_right_arithmetic3A_160 : i32
          %shift_left3A = arith.constant 4 : i32
          %shift_left3A_162 = arith.shli %shift_right_arithmetic3A_161, %shift_left3A : i32
          %and3A = arith.constant 3 : i32
          %and3A_163 = arith.andi %scan3A_159, %and3A : i32
          %shift_left3A_164 = arith.constant 4 : i32
          %shift_left3A_165 = arith.shli %and3A_163, %shift_left3A_164 : i32
          %add3A_166 = vector.broadcast %shift_left3A_162 : i32 to vector<16xi32>
          %add3A_167 = arith.addi %add3A_166, %iota3A : vector<16xi32>
          %shift_right_arithmetic3A_168 = arith.constant 1 : i32
          %shift_right_arithmetic3A_169 = vector.broadcast %shift_right_arithmetic3A_168 : i32 to vector<16xi32>
          %shift_right_arithmetic3A_170 = arith.shrsi %add3A_167, %shift_right_arithmetic3A_169 : vector<16xi32>
          %and3A_171 = arith.constant 1 : i32
          %and3A_172 = vector.broadcast %and3A_171 : i32 to vector<16xi32>
          %and3A_173 = arith.andi %add3A_167, %and3A_172 : vector<16xi32>
          %shift_left3A_174 = arith.constant 6 : i32
          %shift_left3A_175 = vector.broadcast %shift_left3A_174 : i32 to vector<16xi32>
          %shift_left3A_176 = arith.shli %and3A_173, %shift_left3A_175 : vector<16xi32>
          %parallel_loop3A = arith.constant 0 : i32
          %parallel_loop3A_177 = arith.constant 16 : i32
          %parallel_loop3A_178 = arith.constant 1 : i32
          scf.for %parallel_loop3A_179 = %parallel_loop3A to %parallel_loop3A_177 step %parallel_loop3A_178  : i32 {
            %parallel_loop3A_180 = vector.broadcast %parallel_loop3A_179 : i32 to vector<16xi32>
            %parallel_loop3A_181 = arith.addi %iota3A, %parallel_loop3A_180 : vector<16xi32>
            %parallel_loop3A_182 = arith.constant 15 : i32
            %parallel_loop3A_183 = vector.broadcast %parallel_loop3A_182 : i32 to vector<16xi32>
            %parallel_loop3A_184 = arith.andi %parallel_loop3A_181, %parallel_loop3A_183 : vector<16xi32>
            %parallel_loop3A_185 = vector.broadcast %shift_left3A_165 : i32 to vector<16xi32>
            %parallel_loop3A_186 = arith.addi %parallel_loop3A_185, %parallel_loop3A_184 : vector<16xi32>
            %parallel_loop3A_187 = tpu.vector_load_idx %arg5[%parallel_loop3A_186, %add3A_167] : memref<64x128xf32, #tpu.memory_space<vmem>>[vector<16xi32>, vector<16xi32>], vector<16xf32>,
            %parallel_loop3A_188 = arith.addi %shift_left3A_176, %parallel_loop3A_186 : vector<16xi32>
            tpu.vector_store_idx %arg9[%shift_right_arithmetic3A_170, %parallel_loop3A_188], %parallel_loop3A_187 : memref<64x128xf32, #tpu.memory_space<vmem>>[vector<16xi32>, vector<16xi32>], vector<16xf32>,
          } {sc.loop_unroll_factor = 4 : i64, sc.parallel_access}
        }
        %scan3A_150 = arith.constant 32 : i32
        %mul3A_151 = arith.constant 32 : i32
        %mul3A_152 = arith.muli %add3A_54, %mul3A_151 : i32
        %add3A_153 = arith.addi %add3A, %mul3A_152 : i32
        %mul3A_154 = arith.constant 64 : i32
        %mul3A_155 = arith.muli %add3A_153, %mul3A_154 : i32
        %dma_start3A = arith.constant 0 : i32
        %dma_start3A_156 = tpu.memref_slice %arg4[%mul3A_155, %dma_start3A] : memref<500000x128xf32, #tpu.memory_space<hbm>> -> memref<64x128xf32, #tpu.memory_space<hbm>>
        %dma_start3A_157 = arith.constant 0 : i32
        %dma_start3A_158 = tpu.memref_slice %arg4[%mul3A_155, %dma_start3A_157] : memref<500000x128xf32, #tpu.memory_space<hbm>> -> memref<64x128xf32, #tpu.memory_space<hbm>>
        tpu.enqueue_dma source(%arg9 : memref<64x128xf32, #tpu.memory_space<vmem>>) target(%dma_start3A_158 : memref<64x128xf32, #tpu.memory_space<hbm>>) target_semaphore(%arg15 : memref<!tpu.dma_semaphore, #tpu.memory_space<semaphore_mem>>)
      } else {
      }
      %add3A_63 = arith.constant 4 : i32
      %add3A_64 = arith.addi %add3A_54, %add3A_63 : i32
      %mul3A_65 = arith.constant 32 : i32
      %mul3A_66 = arith.muli %add3A_64, %mul3A_65 : i32
      %add3A_67 = arith.addi %add3A, %mul3A_66 : i32
      %lt3A_68 = arith.constant 7812 : i32
      %lt3A_69 = arith.cmpi slt, %add3A_67, %lt3A_68 : i32
      %convert_element_type3A_70 = arith.extui %lt3A_69 : i1 to i32
      %cond3A_71 = arith.constant 0 : i32
      %cond3A_72 = arith.cmpi ne, %convert_element_type3A_70, %cond3A_71 : i32
      scf.if %cond3A_72 {
        %add3A_133 = arith.constant 4 : i32
        %add3A_134 = arith.addi %add3A_54, %add3A_133 : i32
        %mul3A_135 = arith.constant 32 : i32
        %mul3A_136 = arith.muli %add3A_134, %mul3A_135 : i32
        %add3A_137 = arith.addi %add3A, %mul3A_136 : i32
        %mul3A_138 = arith.constant 128 : i32
        %mul3A_139 = arith.muli %add3A_137, %mul3A_138 : i32
        %dma_start3A = arith.constant 0 : i32
        %dma_start3A_140 = tpu.memref_slice %arg2[%dma_start3A, %mul3A_139] : memref<64x1000000xf32, #tpu.memory_space<hbm>> -> memref<64x128xf32, #tpu.memory_space<hbm>>
        %dma_start3A_141 = arith.constant 0 : i32
        %dma_start3A_142 = tpu.memref_slice %arg2[%dma_start3A_141, %mul3A_139] : memref<64x1000000xf32, #tpu.memory_space<hbm>> -> memref<64x128xf32, #tpu.memory_space<hbm>>
        tpu.enqueue_dma source(%dma_start3A_142 : memref<64x128xf32, #tpu.memory_space<hbm>>) target(%arg5 : memref<64x128xf32, #tpu.memory_space<vmem>>) target_semaphore(%arg11 : memref<!tpu.dma_semaphore, #tpu.memory_space<semaphore_mem>>)
      } else {
      }
      %add3A_73 = arith.constant 1 : i32
      %add3A_74 = arith.addi %mul3A_52, %add3A_73 : i32
      %mul3A_75 = arith.constant 32 : i32
      %mul3A_76 = arith.muli %add3A_74, %mul3A_75 : i32
      %add3A_77 = arith.addi %add3A, %mul3A_76 : i32
      %lt3A_78 = arith.constant 7812 : i32
      %lt3A_79 = arith.cmpi slt, %add3A_77, %lt3A_78 : i32
      %convert_element_type3A_80 = arith.extui %lt3A_79 : i1 to i32
      %cond3A_81 = arith.constant 0 : i32
      %cond3A_82 = arith.cmpi ne, %convert_element_type3A_80, %cond3A_81 : i32
      scf.if %cond3A_82 {
        %mul3A_133 = arith.constant 32 : i32
        %mul3A_134 = arith.muli %add3A_74, %mul3A_133 : i32
        %add3A_135 = arith.addi %add3A, %mul3A_134 : i32
        %mul3A_136 = arith.constant 128 : i32
        %mul3A_137 = arith.muli %add3A_135, %mul3A_136 : i32
        %dma_wait3A = arith.constant 0 : i32
        %dma_wait3A_138 = tpu.memref_slice %arg2[%dma_wait3A, %mul3A_137] : memref<64x1000000xf32, #tpu.memory_space<hbm>> -> memref<64x128xf32, #tpu.memory_space<hbm>>
        %dma_wait3A_139 = arith.constant 0 : i32
        %dma_wait3A_140 = tpu.memref_slice %arg2[%dma_wait3A_139, %mul3A_137] : memref<64x1000000xf32, #tpu.memory_space<hbm>> -> memref<64x128xf32, #tpu.memory_space<hbm>>
        tpu.wait_dma2 semaphore(%arg12 : memref<!tpu.dma_semaphore, #tpu.memory_space<semaphore_mem>>) src(%dma_wait3A_140 : memref<64x128xf32, #tpu.memory_space<hbm>>) dst(%arg6 : memref<64x128xf32, #tpu.memory_space<vmem>>)
        %ge3A = arith.constant 2 : i32
        %ge3A_141 = arith.cmpi sge, %add3A_74, %ge3A : i32
        %convert_element_type3A_142 = arith.extui %ge3A_141 : i1 to i32
        %cond3A_143 = arith.constant 0 : i32
        %cond3A_144 = arith.cmpi ne, %convert_element_type3A_142, %cond3A_143 : i32
        scf.if %cond3A_144 {
          %sub3A_159 = arith.constant 2 : i32
          %sub3A_160 = arith.subi %add3A_74, %sub3A_159 : i32
          %mul3A_161 = arith.constant 32 : i32
          %mul3A_162 = arith.muli %sub3A_160, %mul3A_161 : i32
          %add3A_163 = arith.addi %add3A, %mul3A_162 : i32
          %mul3A_164 = arith.constant 64 : i32
          %mul3A_165 = arith.muli %add3A_163, %mul3A_164 : i32
          %dma_wait3A_166 = arith.constant 0 : i32
          %dma_wait3A_167 = tpu.memref_slice %arg4[%mul3A_165, %dma_wait3A_166] : memref<500000x128xf32, #tpu.memory_space<hbm>> -> memref<64x128xf32, #tpu.memory_space<hbm>>
          %dma_wait3A_168 = arith.constant 0 : i32
          %dma_wait3A_169 = tpu.memref_slice %arg4[%mul3A_165, %dma_wait3A_168] : memref<500000x128xf32, #tpu.memory_space<hbm>> -> memref<64x128xf32, #tpu.memory_space<hbm>>
          tpu.wait_dma2 semaphore(%arg16 : memref<!tpu.dma_semaphore, #tpu.memory_space<semaphore_mem>>) src(%arg10 : memref<64x128xf32, #tpu.memory_space<vmem>>) dst(%dma_wait3A_169 : memref<64x128xf32, #tpu.memory_space<hbm>>)
        } else {
        }
        %scan3A_145 = arith.constant 0 : i32
        %scan3A_146 = arith.constant 0 : i32
        %scan3A_147 = arith.constant 32 : i32
        %scan3A_148 = arith.addi %scan3A_146, %scan3A_147 : i32
        %scan3A_149 = arith.constant 1 : i32
        scf.for %scan3A_159 = %scan3A_146 to %scan3A_148 step %scan3A_149  : i32 {
          %shift_right_arithmetic3A_160 = arith.constant 2 : i32
          %shift_right_arithmetic3A_161 = arith.shrsi %scan3A_159, %shift_right_arithmetic3A_160 : i32
          %shift_left3A = arith.constant 4 : i32
          %shift_left3A_162 = arith.shli %shift_right_arithmetic3A_161, %shift_left3A : i32
          %and3A = arith.constant 3 : i32
          %and3A_163 = arith.andi %scan3A_159, %and3A : i32
          %shift_left3A_164 = arith.constant 4 : i32
          %shift_left3A_165 = arith.shli %and3A_163, %shift_left3A_164 : i32
          %add3A_166 = vector.broadcast %shift_left3A_162 : i32 to vector<16xi32>
          %add3A_167 = arith.addi %add3A_166, %iota3A : vector<16xi32>
          %shift_right_arithmetic3A_168 = arith.constant 1 : i32
          %shift_right_arithmetic3A_169 = vector.broadcast %shift_right_arithmetic3A_168 : i32 to vector<16xi32>
          %shift_right_arithmetic3A_170 = arith.shrsi %add3A_167, %shift_right_arithmetic3A_169 : vector<16xi32>
          %and3A_171 = arith.constant 1 : i32
          %and3A_172 = vector.broadcast %and3A_171 : i32 to vector<16xi32>
          %and3A_173 = arith.andi %add3A_167, %and3A_172 : vector<16xi32>
          %shift_left3A_174 = arith.constant 6 : i32
          %shift_left3A_175 = vector.broadcast %shift_left3A_174 : i32 to vector<16xi32>
          %shift_left3A_176 = arith.shli %and3A_173, %shift_left3A_175 : vector<16xi32>
          %parallel_loop3A = arith.constant 0 : i32
          %parallel_loop3A_177 = arith.constant 16 : i32
          %parallel_loop3A_178 = arith.constant 1 : i32
          scf.for %parallel_loop3A_179 = %parallel_loop3A to %parallel_loop3A_177 step %parallel_loop3A_178  : i32 {
            %parallel_loop3A_180 = vector.broadcast %parallel_loop3A_179 : i32 to vector<16xi32>
            %parallel_loop3A_181 = arith.addi %iota3A, %parallel_loop3A_180 : vector<16xi32>
            %parallel_loop3A_182 = arith.constant 15 : i32
            %parallel_loop3A_183 = vector.broadcast %parallel_loop3A_182 : i32 to vector<16xi32>
            %parallel_loop3A_184 = arith.andi %parallel_loop3A_181, %parallel_loop3A_183 : vector<16xi32>
            %parallel_loop3A_185 = vector.broadcast %shift_left3A_165 : i32 to vector<16xi32>
            %parallel_loop3A_186 = arith.addi %parallel_loop3A_185, %parallel_loop3A_184 : vector<16xi32>
            %parallel_loop3A_187 = tpu.vector_load_idx %arg6[%parallel_loop3A_186, %add3A_167] : memref<64x128xf32, #tpu.memory_space<vmem>>[vector<16xi32>, vector<16xi32>], vector<16xf32>,
            %parallel_loop3A_188 = arith.addi %shift_left3A_176, %parallel_loop3A_186 : vector<16xi32>
            tpu.vector_store_idx %arg10[%shift_right_arithmetic3A_170, %parallel_loop3A_188], %parallel_loop3A_187 : memref<64x128xf32, #tpu.memory_space<vmem>>[vector<16xi32>, vector<16xi32>], vector<16xf32>,
          } {sc.loop_unroll_factor = 4 : i64, sc.parallel_access}
        }
        %scan3A_150 = arith.constant 32 : i32
        %mul3A_151 = arith.constant 32 : i32
        %mul3A_152 = arith.muli %add3A_74, %mul3A_151 : i32
        %add3A_153 = arith.addi %add3A, %mul3A_152 : i32
        %mul3A_154 = arith.constant 64 : i32
        %mul3A_155 = arith.muli %add3A_153, %mul3A_154 : i32
        %dma_start3A = arith.constant 0 : i32
        %dma_start3A_156 = tpu.memref_slice %arg4[%mul3A_155, %dma_start3A] : memref<500000x128xf32, #tpu.memory_space<hbm>> -> memref<64x128xf32, #tpu.memory_space<hbm>>
        %dma_start3A_157 = arith.constant 0 : i32
        %dma_start3A_158 = tpu.memref_slice %arg4[%mul3A_155, %dma_start3A_157] : memref<500000x128xf32, #tpu.memory_space<hbm>> -> memref<64x128xf32, #tpu.memory_space<hbm>>
        tpu.enqueue_dma source(%arg10 : memref<64x128xf32, #tpu.memory_space<vmem>>) target(%dma_start3A_158 : memref<64x128xf32, #tpu.memory_space<hbm>>) target_semaphore(%arg16 : memref<!tpu.dma_semaphore, #tpu.memory_space<semaphore_mem>>)
      } else {
      }
      %add3A_83 = arith.constant 4 : i32
      %add3A_84 = arith.addi %add3A_74, %add3A_83 : i32
      %mul3A_85 = arith.constant 32 : i32
      %mul3A_86 = arith.muli %add3A_84, %mul3A_85 : i32
      %add3A_87 = arith.addi %add3A, %mul3A_86 : i32
      %lt3A_88 = arith.constant 7812 : i32
      %lt3A_89 = arith.cmpi slt, %add3A_87, %lt3A_88 : i32
      %convert_element_type3A_90 = arith.extui %lt3A_89 : i1 to i32
      %cond3A_91 = arith.constant 0 : i32
      %cond3A_92 = arith.cmpi ne, %convert_element_type3A_90, %cond3A_91 : i32
      scf.if %cond3A_92 {
        %add3A_133 = arith.constant 4 : i32
        %add3A_134 = arith.addi %add3A_74, %add3A_133 : i32
        %mul3A_135 = arith.constant 32 : i32
        %mul3A_136 = arith.muli %add3A_134, %mul3A_135 : i32
        %add3A_137 = arith.addi %add3A, %mul3A_136 : i32
        %mul3A_138 = arith.constant 128 : i32
        %mul3A_139 = arith.muli %add3A_137, %mul3A_138 : i32
        %dma_start3A = arith.constant 0 : i32
        %dma_start3A_140 = tpu.memref_slice %arg2[%dma_start3A, %mul3A_139] : memref<64x1000000xf32, #tpu.memory_space<hbm>> -> memref<64x128xf32, #tpu.memory_space<hbm>>
        %dma_start3A_141 = arith.constant 0 : i32
        %dma_start3A_142 = tpu.memref_slice %arg2[%dma_start3A_141, %mul3A_139] : memref<64x1000000xf32, #tpu.memory_space<hbm>> -> memref<64x128xf32, #tpu.memory_space<hbm>>
        tpu.enqueue_dma source(%dma_start3A_142 : memref<64x128xf32, #tpu.memory_space<hbm>>) target(%arg6 : memref<64x128xf32, #tpu.memory_space<vmem>>) target_semaphore(%arg12 : memref<!tpu.dma_semaphore, #tpu.memory_space<semaphore_mem>>)
      } else {
      }
      %add3A_93 = arith.constant 2 : i32
      %add3A_94 = arith.addi %mul3A_52, %add3A_93 : i32
      %mul3A_95 = arith.constant 32 : i32
      %mul3A_96 = arith.muli %add3A_94, %mul3A_95 : i32
      %add3A_97 = arith.addi %add3A, %mul3A_96 : i32
      %lt3A_98 = arith.constant 7812 : i32
      %lt3A_99 = arith.cmpi slt, %add3A_97, %lt3A_98 : i32
      %convert_element_type3A_100 = arith.extui %lt3A_99 : i1 to i32
      %cond3A_101 = arith.constant 0 : i32
      %cond3A_102 = arith.cmpi ne, %convert_element_type3A_100, %cond3A_101 : i32
      scf.if %cond3A_102 {
        %mul3A_133 = arith.constant 32 : i32
        %mul3A_134 = arith.muli %add3A_94, %mul3A_133 : i32
        %add3A_135 = arith.addi %add3A, %mul3A_134 : i32
        %mul3A_136 = arith.constant 128 : i32
        %mul3A_137 = arith.muli %add3A_135, %mul3A_136 : i32
        %dma_wait3A = arith.constant 0 : i32
        %dma_wait3A_138 = tpu.memref_slice %arg2[%dma_wait3A, %mul3A_137] : memref<64x1000000xf32, #tpu.memory_space<hbm>> -> memref<64x128xf32, #tpu.memory_space<hbm>>
        %dma_wait3A_139 = arith.constant 0 : i32
        %dma_wait3A_140 = tpu.memref_slice %arg2[%dma_wait3A_139, %mul3A_137] : memref<64x1000000xf32, #tpu.memory_space<hbm>> -> memref<64x128xf32, #tpu.memory_space<hbm>>
        tpu.wait_dma2 semaphore(%arg13 : memref<!tpu.dma_semaphore, #tpu.memory_space<semaphore_mem>>) src(%dma_wait3A_140 : memref<64x128xf32, #tpu.memory_space<hbm>>) dst(%arg7 : memref<64x128xf32, #tpu.memory_space<vmem>>)
        %ge3A = arith.constant 2 : i32
        %ge3A_141 = arith.cmpi sge, %add3A_94, %ge3A : i32
        %convert_element_type3A_142 = arith.extui %ge3A_141 : i1 to i32
        %cond3A_143 = arith.constant 0 : i32
        %cond3A_144 = arith.cmpi ne, %convert_element_type3A_142, %cond3A_143 : i32
        scf.if %cond3A_144 {
          %sub3A_159 = arith.constant 2 : i32
          %sub3A_160 = arith.subi %add3A_94, %sub3A_159 : i32
          %mul3A_161 = arith.constant 32 : i32
          %mul3A_162 = arith.muli %sub3A_160, %mul3A_161 : i32
          %add3A_163 = arith.addi %add3A, %mul3A_162 : i32
          %mul3A_164 = arith.constant 64 : i32
          %mul3A_165 = arith.muli %add3A_163, %mul3A_164 : i32
          %dma_wait3A_166 = arith.constant 0 : i32
          %dma_wait3A_167 = tpu.memref_slice %arg4[%mul3A_165, %dma_wait3A_166] : memref<500000x128xf32, #tpu.memory_space<hbm>> -> memref<64x128xf32, #tpu.memory_space<hbm>>
          %dma_wait3A_168 = arith.constant 0 : i32
          %dma_wait3A_169 = tpu.memref_slice %arg4[%mul3A_165, %dma_wait3A_168] : memref<500000x128xf32, #tpu.memory_space<hbm>> -> memref<64x128xf32, #tpu.memory_space<hbm>>
          tpu.wait_dma2 semaphore(%arg15 : memref<!tpu.dma_semaphore, #tpu.memory_space<semaphore_mem>>) src(%arg9 : memref<64x128xf32, #tpu.memory_space<vmem>>) dst(%dma_wait3A_169 : memref<64x128xf32, #tpu.memory_space<hbm>>)
        } else {
        }
        %scan3A_145 = arith.constant 0 : i32
        %scan3A_146 = arith.constant 0 : i32
        %scan3A_147 = arith.constant 32 : i32
        %scan3A_148 = arith.addi %scan3A_146, %scan3A_147 : i32
        %scan3A_149 = arith.constant 1 : i32
        scf.for %scan3A_159 = %scan3A_146 to %scan3A_148 step %scan3A_149  : i32 {
          %shift_right_arithmetic3A_160 = arith.constant 2 : i32
          %shift_right_arithmetic3A_161 = arith.shrsi %scan3A_159, %shift_right_arithmetic3A_160 : i32
          %shift_left3A = arith.constant 4 : i32
          %shift_left3A_162 = arith.shli %shift_right_arithmetic3A_161, %shift_left3A : i32
          %and3A = arith.constant 3 : i32
          %and3A_163 = arith.andi %scan3A_159, %and3A : i32
          %shift_left3A_164 = arith.constant 4 : i32
          %shift_left3A_165 = arith.shli %and3A_163, %shift_left3A_164 : i32
          %add3A_166 = vector.broadcast %shift_left3A_162 : i32 to vector<16xi32>
          %add3A_167 = arith.addi %add3A_166, %iota3A : vector<16xi32>
          %shift_right_arithmetic3A_168 = arith.constant 1 : i32
          %shift_right_arithmetic3A_169 = vector.broadcast %shift_right_arithmetic3A_168 : i32 to vector<16xi32>
          %shift_right_arithmetic3A_170 = arith.shrsi %add3A_167, %shift_right_arithmetic3A_169 : vector<16xi32>
          %and3A_171 = arith.constant 1 : i32
          %and3A_172 = vector.broadcast %and3A_171 : i32 to vector<16xi32>
          %and3A_173 = arith.andi %add3A_167, %and3A_172 : vector<16xi32>
          %shift_left3A_174 = arith.constant 6 : i32
          %shift_left3A_175 = vector.broadcast %shift_left3A_174 : i32 to vector<16xi32>
          %shift_left3A_176 = arith.shli %and3A_173, %shift_left3A_175 : vector<16xi32>
          %parallel_loop3A = arith.constant 0 : i32
          %parallel_loop3A_177 = arith.constant 16 : i32
          %parallel_loop3A_178 = arith.constant 1 : i32
          scf.for %parallel_loop3A_179 = %parallel_loop3A to %parallel_loop3A_177 step %parallel_loop3A_178  : i32 {
            %parallel_loop3A_180 = vector.broadcast %parallel_loop3A_179 : i32 to vector<16xi32>
            %parallel_loop3A_181 = arith.addi %iota3A, %parallel_loop3A_180 : vector<16xi32>
            %parallel_loop3A_182 = arith.constant 15 : i32
            %parallel_loop3A_183 = vector.broadcast %parallel_loop3A_182 : i32 to vector<16xi32>
            %parallel_loop3A_184 = arith.andi %parallel_loop3A_181, %parallel_loop3A_183 : vector<16xi32>
            %parallel_loop3A_185 = vector.broadcast %shift_left3A_165 : i32 to vector<16xi32>
            %parallel_loop3A_186 = arith.addi %parallel_loop3A_185, %parallel_loop3A_184 : vector<16xi32>
            %parallel_loop3A_187 = tpu.vector_load_idx %arg7[%parallel_loop3A_186, %add3A_167] : memref<64x128xf32, #tpu.memory_space<vmem>>[vector<16xi32>, vector<16xi32>], vector<16xf32>,
            %parallel_loop3A_188 = arith.addi %shift_left3A_176, %parallel_loop3A_186 : vector<16xi32>
            tpu.vector_store_idx %arg9[%shift_right_arithmetic3A_170, %parallel_loop3A_188], %parallel_loop3A_187 : memref<64x128xf32, #tpu.memory_space<vmem>>[vector<16xi32>, vector<16xi32>], vector<16xf32>,
          } {sc.loop_unroll_factor = 4 : i64, sc.parallel_access}
        }
        %scan3A_150 = arith.constant 32 : i32
        %mul3A_151 = arith.constant 32 : i32
        %mul3A_152 = arith.muli %add3A_94, %mul3A_151 : i32
        %add3A_153 = arith.addi %add3A, %mul3A_152 : i32
        %mul3A_154 = arith.constant 64 : i32
        %mul3A_155 = arith.muli %add3A_153, %mul3A_154 : i32
        %dma_start3A = arith.constant 0 : i32
        %dma_start3A_156 = tpu.memref_slice %arg4[%mul3A_155, %dma_start3A] : memref<500000x128xf32, #tpu.memory_space<hbm>> -> memref<64x128xf32, #tpu.memory_space<hbm>>
        %dma_start3A_157 = arith.constant 0 : i32
        %dma_start3A_158 = tpu.memref_slice %arg4[%mul3A_155, %dma_start3A_157] : memref<500000x128xf32, #tpu.memory_space<hbm>> -> memref<64x128xf32, #tpu.memory_space<hbm>>
        tpu.enqueue_dma source(%arg9 : memref<64x128xf32, #tpu.memory_space<vmem>>) target(%dma_start3A_158 : memref<64x128xf32, #tpu.memory_space<hbm>>) target_semaphore(%arg15 : memref<!tpu.dma_semaphore, #tpu.memory_space<semaphore_mem>>)
      } else {
      }
      %add3A_103 = arith.constant 4 : i32
      %add3A_104 = arith.addi %add3A_94, %add3A_103 : i32
      %mul3A_105 = arith.constant 32 : i32
      %mul3A_106 = arith.muli %add3A_104, %mul3A_105 : i32
      %add3A_107 = arith.addi %add3A, %mul3A_106 : i32
      %lt3A_108 = arith.constant 7812 : i32
      %lt3A_109 = arith.cmpi slt, %add3A_107, %lt3A_108 : i32
      %convert_element_type3A_110 = arith.extui %lt3A_109 : i1 to i32
      %cond3A_111 = arith.constant 0 : i32
      %cond3A_112 = arith.cmpi ne, %convert_element_type3A_110, %cond3A_111 : i32
      scf.if %cond3A_112 {
        %add3A_133 = arith.constant 4 : i32
        %add3A_134 = arith.addi %add3A_94, %add3A_133 : i32
        %mul3A_135 = arith.constant 32 : i32
        %mul3A_136 = arith.muli %add3A_134, %mul3A_135 : i32
        %add3A_137 = arith.addi %add3A, %mul3A_136 : i32
        %mul3A_138 = arith.constant 128 : i32
        %mul3A_139 = arith.muli %add3A_137, %mul3A_138 : i32
        %dma_start3A = arith.constant 0 : i32
        %dma_start3A_140 = tpu.memref_slice %arg2[%dma_start3A, %mul3A_139] : memref<64x1000000xf32, #tpu.memory_space<hbm>> -> memref<64x128xf32, #tpu.memory_space<hbm>>
        %dma_start3A_141 = arith.constant 0 : i32
        %dma_start3A_142 = tpu.memref_slice %arg2[%dma_start3A_141, %mul3A_139] : memref<64x1000000xf32, #tpu.memory_space<hbm>> -> memref<64x128xf32, #tpu.memory_space<hbm>>
        tpu.enqueue_dma source(%dma_start3A_142 : memref<64x128xf32, #tpu.memory_space<hbm>>) target(%arg7 : memref<64x128xf32, #tpu.memory_space<vmem>>) target_semaphore(%arg13 : memref<!tpu.dma_semaphore, #tpu.memory_space<semaphore_mem>>)
      } else {
      }
      %add3A_113 = arith.constant 3 : i32
      %add3A_114 = arith.addi %mul3A_52, %add3A_113 : i32
      %mul3A_115 = arith.constant 32 : i32
      %mul3A_116 = arith.muli %add3A_114, %mul3A_115 : i32
      %add3A_117 = arith.addi %add3A, %mul3A_116 : i32
      %lt3A_118 = arith.constant 7812 : i32
      %lt3A_119 = arith.cmpi slt, %add3A_117, %lt3A_118 : i32
      %convert_element_type3A_120 = arith.extui %lt3A_119 : i1 to i32
      %cond3A_121 = arith.constant 0 : i32
      %cond3A_122 = arith.cmpi ne, %convert_element_type3A_120, %cond3A_121 : i32
      scf.if %cond3A_122 {
        %mul3A_133 = arith.constant 32 : i32
        %mul3A_134 = arith.muli %add3A_114, %mul3A_133 : i32
        %add3A_135 = arith.addi %add3A, %mul3A_134 : i32
        %mul3A_136 = arith.constant 128 : i32
        %mul3A_137 = arith.muli %add3A_135, %mul3A_136 : i32
        %dma_wait3A = arith.constant 0 : i32
        %dma_wait3A_138 = tpu.memref_slice %arg2[%dma_wait3A, %mul3A_137] : memref<64x1000000xf32, #tpu.memory_space<hbm>> -> memref<64x128xf32, #tpu.memory_space<hbm>>
        %dma_wait3A_139 = arith.constant 0 : i32
        %dma_wait3A_140 = tpu.memref_slice %arg2[%dma_wait3A_139, %mul3A_137] : memref<64x1000000xf32, #tpu.memory_space<hbm>> -> memref<64x128xf32, #tpu.memory_space<hbm>>
        tpu.wait_dma2 semaphore(%arg14 : memref<!tpu.dma_semaphore, #tpu.memory_space<semaphore_mem>>) src(%dma_wait3A_140 : memref<64x128xf32, #tpu.memory_space<hbm>>) dst(%arg8 : memref<64x128xf32, #tpu.memory_space<vmem>>)
        %ge3A = arith.constant 2 : i32
        %ge3A_141 = arith.cmpi sge, %add3A_114, %ge3A : i32
        %convert_element_type3A_142 = arith.extui %ge3A_141 : i1 to i32
        %cond3A_143 = arith.constant 0 : i32
        %cond3A_144 = arith.cmpi ne, %convert_element_type3A_142, %cond3A_143 : i32
        scf.if %cond3A_144 {
          %sub3A_159 = arith.constant 2 : i32
          %sub3A_160 = arith.subi %add3A_114, %sub3A_159 : i32
          %mul3A_161 = arith.constant 32 : i32
          %mul3A_162 = arith.muli %sub3A_160, %mul3A_161 : i32
          %add3A_163 = arith.addi %add3A, %mul3A_162 : i32
          %mul3A_164 = arith.constant 64 : i32
          %mul3A_165 = arith.muli %add3A_163, %mul3A_164 : i32
          %dma_wait3A_166 = arith.constant 0 : i32
          %dma_wait3A_167 = tpu.memref_slice %arg4[%mul3A_165, %dma_wait3A_166] : memref<500000x128xf32, #tpu.memory_space<hbm>> -> memref<64x128xf32, #tpu.memory_space<hbm>>
          %dma_wait3A_168 = arith.constant 0 : i32
          %dma_wait3A_169 = tpu.memref_slice %arg4[%mul3A_165, %dma_wait3A_168] : memref<500000x128xf32, #tpu.memory_space<hbm>> -> memref<64x128xf32, #tpu.memory_space<hbm>>
          tpu.wait_dma2 semaphore(%arg16 : memref<!tpu.dma_semaphore, #tpu.memory_space<semaphore_mem>>) src(%arg10 : memref<64x128xf32, #tpu.memory_space<vmem>>) dst(%dma_wait3A_169 : memref<64x128xf32, #tpu.memory_space<hbm>>)
        } else {
        }
        %scan3A_145 = arith.constant 0 : i32
        %scan3A_146 = arith.constant 0 : i32
        %scan3A_147 = arith.constant 32 : i32
        %scan3A_148 = arith.addi %scan3A_146, %scan3A_147 : i32
        %scan3A_149 = arith.constant 1 : i32
        scf.for %scan3A_159 = %scan3A_146 to %scan3A_148 step %scan3A_149  : i32 {
          %shift_right_arithmetic3A_160 = arith.constant 2 : i32
          %shift_right_arithmetic3A_161 = arith.shrsi %scan3A_159, %shift_right_arithmetic3A_160 : i32
          %shift_left3A = arith.constant 4 : i32
          %shift_left3A_162 = arith.shli %shift_right_arithmetic3A_161, %shift_left3A : i32
          %and3A = arith.constant 3 : i32
          %and3A_163 = arith.andi %scan3A_159, %and3A : i32
          %shift_left3A_164 = arith.constant 4 : i32
          %shift_left3A_165 = arith.shli %and3A_163, %shift_left3A_164 : i32
          %add3A_166 = vector.broadcast %shift_left3A_162 : i32 to vector<16xi32>
          %add3A_167 = arith.addi %add3A_166, %iota3A : vector<16xi32>
          %shift_right_arithmetic3A_168 = arith.constant 1 : i32
          %shift_right_arithmetic3A_169 = vector.broadcast %shift_right_arithmetic3A_168 : i32 to vector<16xi32>
          %shift_right_arithmetic3A_170 = arith.shrsi %add3A_167, %shift_right_arithmetic3A_169 : vector<16xi32>
          %and3A_171 = arith.constant 1 : i32
          %and3A_172 = vector.broadcast %and3A_171 : i32 to vector<16xi32>
          %and3A_173 = arith.andi %add3A_167, %and3A_172 : vector<16xi32>
          %shift_left3A_174 = arith.constant 6 : i32
          %shift_left3A_175 = vector.broadcast %shift_left3A_174 : i32 to vector<16xi32>
          %shift_left3A_176 = arith.shli %and3A_173, %shift_left3A_175 : vector<16xi32>
          %parallel_loop3A = arith.constant 0 : i32
          %parallel_loop3A_177 = arith.constant 16 : i32
          %parallel_loop3A_178 = arith.constant 1 : i32
          scf.for %parallel_loop3A_179 = %parallel_loop3A to %parallel_loop3A_177 step %parallel_loop3A_178  : i32 {
            %parallel_loop3A_180 = vector.broadcast %parallel_loop3A_179 : i32 to vector<16xi32>
            %parallel_loop3A_181 = arith.addi %iota3A, %parallel_loop3A_180 : vector<16xi32>
            %parallel_loop3A_182 = arith.constant 15 : i32
            %parallel_loop3A_183 = vector.broadcast %parallel_loop3A_182 : i32 to vector<16xi32>
            %parallel_loop3A_184 = arith.andi %parallel_loop3A_181, %parallel_loop3A_183 : vector<16xi32>
            %parallel_loop3A_185 = vector.broadcast %shift_left3A_165 : i32 to vector<16xi32>
            %parallel_loop3A_186 = arith.addi %parallel_loop3A_185, %parallel_loop3A_184 : vector<16xi32>
            %parallel_loop3A_187 = tpu.vector_load_idx %arg8[%parallel_loop3A_186, %add3A_167] : memref<64x128xf32, #tpu.memory_space<vmem>>[vector<16xi32>, vector<16xi32>], vector<16xf32>,
            %parallel_loop3A_188 = arith.addi %shift_left3A_176, %parallel_loop3A_186 : vector<16xi32>
            tpu.vector_store_idx %arg10[%shift_right_arithmetic3A_170, %parallel_loop3A_188], %parallel_loop3A_187 : memref<64x128xf32, #tpu.memory_space<vmem>>[vector<16xi32>, vector<16xi32>], vector<16xf32>,
          } {sc.loop_unroll_factor = 4 : i64, sc.parallel_access}
        }
        %scan3A_150 = arith.constant 32 : i32
        %mul3A_151 = arith.constant 32 : i32
        %mul3A_152 = arith.muli %add3A_114, %mul3A_151 : i32
        %add3A_153 = arith.addi %add3A, %mul3A_152 : i32
        %mul3A_154 = arith.constant 64 : i32
        %mul3A_155 = arith.muli %add3A_153, %mul3A_154 : i32
        %dma_start3A = arith.constant 0 : i32
        %dma_start3A_156 = tpu.memref_slice %arg4[%mul3A_155, %dma_start3A] : memref<500000x128xf32, #tpu.memory_space<hbm>> -> memref<64x128xf32, #tpu.memory_space<hbm>>
        %dma_start3A_157 = arith.constant 0 : i32
        %dma_start3A_158 = tpu.memref_slice %arg4[%mul3A_155, %dma_start3A_157] : memref<500000x128xf32, #tpu.memory_space<hbm>> -> memref<64x128xf32, #tpu.memory_space<hbm>>
        tpu.enqueue_dma source(%arg10 : memref<64x128xf32, #tpu.memory_space<vmem>>) target(%dma_start3A_158 : memref<64x128xf32, #tpu.memory_space<hbm>>) target_semaphore(%arg16 : memref<!tpu.dma_semaphore, #tpu.memory_space<semaphore_mem>>)
      } else {
      }
      %add3A_123 = arith.constant 4 : i32
      %add3A_124 = arith.addi %add3A_114, %add3A_123 : i32
      %mul3A_125 = arith.constant 32 : i32
      %mul3A_126 = arith.muli %add3A_124, %mul3A_125 : i32
      %add3A_127 = arith.addi %add3A, %mul3A_126 : i32
      %lt3A_128 = arith.constant 7812 : i32
      %lt3A_129 = arith.cmpi slt, %add3A_127, %lt3A_128 : i32
      %convert_element_type3A_130 = arith.extui %lt3A_129 : i1 to i32
      %cond3A_131 = arith.constant 0 : i32
      %cond3A_132 = arith.cmpi ne, %convert_element_type3A_130, %cond3A_131 : i32
      scf.if %cond3A_132 {
        %add3A_133 = arith.constant 4 : i32
        %add3A_134 = arith.addi %add3A_114, %add3A_133 : i32
        %mul3A_135 = arith.constant 32 : i32
        %mul3A_136 = arith.muli %add3A_134, %mul3A_135 : i32
        %add3A_137 = arith.addi %add3A, %mul3A_136 : i32
        %mul3A_138 = arith.constant 128 : i32
        %mul3A_139 = arith.muli %add3A_137, %mul3A_138 : i32
        %dma_start3A = arith.constant 0 : i32
        %dma_start3A_140 = tpu.memref_slice %arg2[%dma_start3A, %mul3A_139] : memref<64x1000000xf32, #tpu.memory_space<hbm>> -> memref<64x128xf32, #tpu.memory_space<hbm>>
        %dma_start3A_141 = arith.constant 0 : i32
        %dma_start3A_142 = tpu.memref_slice %arg2[%dma_start3A_141, %mul3A_139] : memref<64x1000000xf32, #tpu.memory_space<hbm>> -> memref<64x128xf32, #tpu.memory_space<hbm>>
        tpu.enqueue_dma source(%dma_start3A_142 : memref<64x128xf32, #tpu.memory_space<hbm>>) target(%arg8 : memref<64x128xf32, #tpu.memory_space<vmem>>) target_semaphore(%arg14 : memref<!tpu.dma_semaphore, #tpu.memory_space<semaphore_mem>>)
      } else {
      }
    }
    %scan3A_30 = arith.constant 62 : i32
    %sub3A = arith.constant 7812 : i32
    %sub3A_31 = arith.subi %sub3A, %add3A : i32
    %add3A_32 = arith.constant 32 : i32
    %add3A_33 = arith.addi %sub3A_31, %add3A_32 : i32
    %sub3A_34 = arith.constant 1 : i32
    %sub3A_35 = arith.subi %add3A_33, %sub3A_34 : i32
    %shift_right_arithmetic3A = arith.constant 5 : i32
    %shift_right_arithmetic3A_36 = arith.shrsi %sub3A_35, %shift_right_arithmetic3A : i32
    %gt3A = arith.constant 0 : i32
    %gt3A_37 = arith.cmpi sgt, %shift_right_arithmetic3A_36, %gt3A : i32
    %convert_element_type3A_38 = arith.extui %gt3A_37 : i1 to i32
    %cond3A_39 = arith.constant 0 : i32
    %cond3A_40 = arith.cmpi ne, %convert_element_type3A_38, %cond3A_39 : i32
    scf.if %cond3A_40 {
      %sub3A_50 = arith.constant 1 : i32
      %sub3A_51 = arith.subi %shift_right_arithmetic3A_36, %sub3A_50 : i32
      %sub3A_52 = arith.constant 1 : i32
      %sub3A_53 = arith.subi %shift_right_arithmetic3A_36, %sub3A_52 : i32
      %sub3A_54 = arith.constant 0 : i32
      %sub3A_55 = arith.subi %sub3A_53, %sub3A_54 : i32
      %and3A = arith.constant 1 : i32
      %and3A_56 = arith.andi %sub3A_55, %and3A : i32
      %sub3A_57 = arith.subi %sub3A_51, %and3A_56 : i32
      %mul3A_58 = arith.constant 32 : i32
      %mul3A_59 = arith.muli %sub3A_57, %mul3A_58 : i32
      %add3A_60 = arith.addi %add3A, %mul3A_59 : i32
      %mul3A_61 = arith.constant 64 : i32
      %mul3A_62 = arith.muli %add3A_60, %mul3A_61 : i32
      %dma_wait3A = arith.constant 0 : i32
      %dma_wait3A_63 = tpu.memref_slice %arg4[%mul3A_62, %dma_wait3A] : memref<500000x128xf32, #tpu.memory_space<hbm>> -> memref<64x128xf32, #tpu.memory_space<hbm>>
      %dma_wait3A_64 = arith.constant 0 : i32
      %dma_wait3A_65 = tpu.memref_slice %arg4[%mul3A_62, %dma_wait3A_64] : memref<500000x128xf32, #tpu.memory_space<hbm>> -> memref<64x128xf32, #tpu.memory_space<hbm>>
      tpu.wait_dma2 semaphore(%arg15 : memref<!tpu.dma_semaphore, #tpu.memory_space<semaphore_mem>>) src(%arg9 : memref<64x128xf32, #tpu.memory_space<vmem>>) dst(%dma_wait3A_65 : memref<64x128xf32, #tpu.memory_space<hbm>>)
    } else {
    }
    %gt3A_41 = arith.constant 1 : i32
    %gt3A_42 = arith.cmpi sgt, %shift_right_arithmetic3A_36, %gt3A_41 : i32
    %convert_element_type3A_43 = arith.extui %gt3A_42 : i1 to i32
    %cond3A_44 = arith.constant 0 : i32
    %cond3A_45 = arith.cmpi ne, %convert_element_type3A_43, %cond3A_44 : i32
    scf.if %cond3A_45 {
      %sub3A_50 = arith.constant 1 : i32
      %sub3A_51 = arith.subi %shift_right_arithmetic3A_36, %sub3A_50 : i32
      %sub3A_52 = arith.constant 1 : i32
      %sub3A_53 = arith.subi %shift_right_arithmetic3A_36, %sub3A_52 : i32
      %sub3A_54 = arith.constant 1 : i32
      %sub3A_55 = arith.subi %sub3A_53, %sub3A_54 : i32
      %and3A = arith.constant 1 : i32
      %and3A_56 = arith.andi %sub3A_55, %and3A : i32
      %sub3A_57 = arith.subi %sub3A_51, %and3A_56 : i32
      %mul3A_58 = arith.constant 32 : i32
      %mul3A_59 = arith.muli %sub3A_57, %mul3A_58 : i32
      %add3A_60 = arith.addi %add3A, %mul3A_59 : i32
      %mul3A_61 = arith.constant 64 : i32
      %mul3A_62 = arith.muli %add3A_60, %mul3A_61 : i32
      %dma_wait3A = arith.constant 0 : i32
      %dma_wait3A_63 = tpu.memref_slice %arg4[%mul3A_62, %dma_wait3A] : memref<500000x128xf32, #tpu.memory_space<hbm>> -> memref<64x128xf32, #tpu.memory_space<hbm>>
      %dma_wait3A_64 = arith.constant 0 : i32
      %dma_wait3A_65 = tpu.memref_slice %arg4[%mul3A_62, %dma_wait3A_64] : memref<500000x128xf32, #tpu.memory_space<hbm>> -> memref<64x128xf32, #tpu.memory_space<hbm>>
      tpu.wait_dma2 semaphore(%arg16 : memref<!tpu.dma_semaphore, #tpu.memory_space<semaphore_mem>>) src(%arg10 : memref<64x128xf32, #tpu.memory_space<vmem>>) dst(%dma_wait3A_65 : memref<64x128xf32, #tpu.memory_space<hbm>>)
    } else {
    }
    %eq3A = arith.constant 4 : i32
    %eq3A_46 = arith.cmpi eq, %add3A, %eq3A : i32
    %convert_element_type3A_47 = arith.extui %eq3A_46 : i1 to i32
    %cond3A_48 = arith.constant 0 : i32
    %cond3A_49 = arith.cmpi ne, %convert_element_type3A_47, %cond3A_48 : i32
    scf.if %cond3A_49 {
      "tpu.region"() ({
        %run_scoped3A = tpu.sem_alloc : memref<!tpu.dma_semaphore, #tpu.memory_space<semaphore_mem>>
        %dma_start3A = arith.constant 0 : i32
        %dma_start3A_50 = arith.constant 0 : i32
        %dma_start3A_51 = tpu.memref_slice %arg9[%dma_start3A, %dma_start3A_50] : memref<64x128xf32, #tpu.memory_space<vmem>> -> memref<32x128xf32, #tpu.memory_space<vmem>>
        %dma_start3A_52 = arith.constant 0 : i32
        %dma_start3A_53 = arith.constant 0 : i32
        %dma_start3A_54 = tpu.memref_slice %arg9[%dma_start3A_52, %dma_start3A_53] : memref<64x128xf32, #tpu.memory_space<vmem>> -> memref<32x128xf32, #tpu.memory_space<vmem>>
        tpu.enqueue_dma source(%arg3 : memref<32x128xf32, #tpu.memory_space<hbm>>) target(%dma_start3A_54 : memref<32x128xf32, #tpu.memory_space<vmem>>) target_semaphore(%run_scoped3A : memref<!tpu.dma_semaphore, #tpu.memory_space<semaphore_mem>>)
        %dma_wait3A = arith.constant 0 : i32
        %dma_wait3A_55 = arith.constant 0 : i32
        %dma_wait3A_56 = tpu.memref_slice %arg9[%dma_wait3A, %dma_wait3A_55] : memref<64x128xf32, #tpu.memory_space<vmem>> -> memref<32x128xf32, #tpu.memory_space<vmem>>
        %dma_wait3A_57 = arith.constant 0 : i32
        %dma_wait3A_58 = arith.constant 0 : i32
        %dma_wait3A_59 = tpu.memref_slice %arg9[%dma_wait3A_57, %dma_wait3A_58] : memref<64x128xf32, #tpu.memory_space<vmem>> -> memref<32x128xf32, #tpu.memory_space<vmem>>
        tpu.wait_dma2 semaphore(%run_scoped3A : memref<!tpu.dma_semaphore, #tpu.memory_space<semaphore_mem>>) src(%arg3 : memref<32x128xf32, #tpu.memory_space<hbm>>) dst(%dma_wait3A_59 : memref<32x128xf32, #tpu.memory_space<vmem>>)
        tpu.yield
      }) : () -> ()
      "tpu.region"() ({
        %run_scoped3A = tpu.sem_alloc : memref<!tpu.dma_semaphore, #tpu.memory_space<semaphore_mem>>
        %dma_start3A = arith.constant 0 : i32
        %dma_start3A_50 = arith.constant 0 : i32
        %dma_start3A_51 = tpu.memref_slice %arg9[%dma_start3A, %dma_start3A_50] : memref<64x128xf32, #tpu.memory_space<vmem>> -> memref<32x128xf32, #tpu.memory_space<vmem>>
        %dma_start3A_52 = arith.constant 499968 : i32
        %dma_start3A_53 = arith.constant 0 : i32
        %dma_start3A_54 = tpu.memref_slice %arg4[%dma_start3A_52, %dma_start3A_53] : memref<500000x128xf32, #tpu.memory_space<hbm>> -> memref<32x128xf32, #tpu.memory_space<hbm>>
        %dma_start3A_55 = arith.constant 499968 : i32
        %dma_start3A_56 = arith.constant 0 : i32
        %dma_start3A_57 = tpu.memref_slice %arg4[%dma_start3A_55, %dma_start3A_56] : memref<500000x128xf32, #tpu.memory_space<hbm>> -> memref<32x128xf32, #tpu.memory_space<hbm>>
        %dma_start3A_58 = arith.constant 0 : i32
        %dma_start3A_59 = arith.constant 0 : i32
        %dma_start3A_60 = tpu.memref_slice %arg9[%dma_start3A_58, %dma_start3A_59] : memref<64x128xf32, #tpu.memory_space<vmem>> -> memref<32x128xf32, #tpu.memory_space<vmem>>
        tpu.enqueue_dma source(%dma_start3A_60 : memref<32x128xf32, #tpu.memory_space<vmem>>) target(%dma_start3A_57 : memref<32x128xf32, #tpu.memory_space<hbm>>) target_semaphore(%run_scoped3A : memref<!tpu.dma_semaphore, #tpu.memory_space<semaphore_mem>>)
        %dma_wait3A = arith.constant 0 : i32
        %dma_wait3A_61 = arith.constant 0 : i32
        %dma_wait3A_62 = tpu.memref_slice %arg9[%dma_wait3A, %dma_wait3A_61] : memref<64x128xf32, #tpu.memory_space<vmem>> -> memref<32x128xf32, #tpu.memory_space<vmem>>
        %dma_wait3A_63 = arith.constant 499968 : i32
        %dma_wait3A_64 = arith.constant 0 : i32
        %dma_wait3A_65 = tpu.memref_slice %arg4[%dma_wait3A_63, %dma_wait3A_64] : memref<500000x128xf32, #tpu.memory_space<hbm>> -> memref<32x128xf32, #tpu.memory_space<hbm>>
        %dma_wait3A_66 = arith.constant 499968 : i32
        %dma_wait3A_67 = arith.constant 0 : i32
        %dma_wait3A_68 = tpu.memref_slice %arg4[%dma_wait3A_66, %dma_wait3A_67] : memref<500000x128xf32, #tpu.memory_space<hbm>> -> memref<32x128xf32, #tpu.memory_space<hbm>>
        %dma_wait3A_69 = arith.constant 0 : i32
        %dma_wait3A_70 = arith.constant 0 : i32
        %dma_wait3A_71 = tpu.memref_slice %arg9[%dma_wait3A_69, %dma_wait3A_70] : memref<64x128xf32, #tpu.memory_space<vmem>> -> memref<32x128xf32, #tpu.memory_space<vmem>>
        tpu.wait_dma2 semaphore(%run_scoped3A : memref<!tpu.dma_semaphore, #tpu.memory_space<semaphore_mem>>) src(%dma_wait3A_71 : memref<32x128xf32, #tpu.memory_space<vmem>>) dst(%dma_wait3A_68 : memref<32x128xf32, #tpu.memory_space<hbm>>)
        tpu.yield
      }) : () -> ()
    } else {
    }
    return
  }
}

</mosaic_0001>

<sc_bundles>
// kernel: _convert.3.cloned.1.call-start
scs
__scs_entry_jumppad:
0x0: {  	(pc) =	sbr.rel $0x88, $3  }
0x1: {  	(tag) =	ssettag $0x0;
	lr =	simm.s32 $0x1  }
0x2: {  	[smem:$0x3F9F] =	sst lr;
	_ =	strace $0xD0000000  }
0x3: {  	_ = 	snop  }
0x4: {  	_ = 	snop  }
0x5: {  	_ = 	snop  }
0x6: {  	_ = 	snop  }
0x7: {  	_ = 	snop  }
__scs_overlays_trampoline_lowered:
0x8: {  	[smem:$0x3FAE] =	sst s0  }
0x9: {  	[smem:$0x3FAF] =	sst s1  }
0xa: {  	[smem:$0x3FB0] =	sst s2  }
0xb: {  	[smem:$0x3FB1] =	sst s3  }
0xc: {  	[smem:$0x3FB2] =	sst s4  }
0xd: {  	[smem:$0x3FB3] =	sst s5  }
0xe: {  	[smem:$0x3FB4] =	sst s6  }
0xf: {  	[smem:$0x3FB5] =	sst s7  }
0x10: {  	[smem:$0x3FB6] =	sst s8  }
0x11: {  	[smem:$0x3FB7] =	sst s9;
	s0 =	simm.s32 @!p0 $0x0  }
0x12: {  	s1 =	sld [smem:$0x3F9D];
	s0 =	simm.s32 @p0 $0x1  }
0x13: {  	[smem:$0x3FB8] =	sst s0;
	s0 =	simm.s32 @!p1 $0x0  }
0x14: {  	s2 =	sld [smem:$0x3F9C];
	s0 =	simm.s32 @p1 $0x1  }
0x15: {  	[smem:$0x3FB9] =	sst s0;
	s0 =	simm.s32 @!p2 $0x0  }
0x16: {  	s3 =	sld [smem:$0x3FDB];
	s0 =	simm.s32 @p2 $0x1  }
0x17: {  	s4 =	simm.s32 $0x1BF5;
	[smem:$0x3FBB] =	sst s0  }
0x18: {  	s0 =	sld [smem:$0x3F9E];
	_ =	swait.ge [sflag:s4], $0x0  }
0x19: {  	s7 =	sld [smem:$0x3F9F]  }
0x1a: {  	s8 =	sadd.s32 $0xFFFFE003, lr  }
0x1b: {  	s9 =	sadd.s32 $0xFFFFFEF7, lr;
	s5 =	simm.s32 $0xFFFFFFFF;
	p2 =	slt.u32 s8, $0xFFFFF086  }
0x1c: {  	p1 =	slt.u32 s9, $0xF7A;
	s5 =	simm.s32 @!p2 $0x0  }
0x1d: {  	s5 =	simm.s32 @p1 $0x1;
	p0 =	seq.s32 s7, s2  }
0x1e: {  	s7 =	smul.u32 @!p0 $0xF7A, s2;
	p2 =	seq.s32 @!p0 s5, $0x0  }
0x1f: {  	s9 =	smul.u32 $0xF7A, s1;
	s8 =	simm.s32 @!p0 $0x1BF5;
	p2 =	por !p2, p0  }
0x20: {  	[sflag:s8] =	ssyncset.s32 @!p0 $0xFFFFF086;
	s6 =	sadd.s32 @!p0 s3, s7;
	s7 =	simm.s32 @!p0 $0x108  }
0x21: {  	s3 =	sadd.s32 s3, s9;
	s6 =	sadd.s32 @!p0 $0x88, s6;
	s7 =	simm.s32 @p2 $0x1082  }
0x22: {  	[simem:s7], [sflag:s8] =	dma.local @!p0 [hbm:s6], $0xF7A  }
0x23: {  	s9 =	sor.u32 $0xD0000000, s2;
	s6 =	simm.s32 $0x108;
	_ =	swait.ge @!p0 [sflag:s8], $0x0  }
0x24: {  	s3 =	sadd.s32 $0x88, s3;
	s6 =	simm.s32 @!p1 $0x1082;
	[sflag:s4] =	ssyncset.s32 $0xFFFFF086  }
0x25: {  	[simem:s6], [sflag:s4] =	dma.local [hbm:s3], $0xF7A  }
0x26: {  	[smem:$0x3F9F] =	sst s1;
	(tag) =	ssettag s2;
	_ =	strace s9  }
0x27: {  	s1 =	sld [smem:$0x3FAF]  }
0x28: {  	s2 =	sld [smem:$0x3FB0]  }
0x29: {  	s4 =	sld [smem:$0x3FB2]  }
0x2a: {  	p0 =	seq.s32 s5, $0x0;
	s5 =	sld [smem:$0x3FB3]  }
0x2b: {  	s6 =	sld [smem:$0x3FB4]  }
0x2c: {  	s7 =	sld [smem:$0x3FB5]  }
0x2d: {  	s3 =	simm.s32 $0x108;
	s8 =	sld [smem:$0x3FB6]  }
0x2e: {  	s3 =	simm.s32 @!p0 $0x1082;
	s9 =	sld [smem:$0x3FB7]  }
0x2f: {  	lr =	sadd.s32 s0, s3;
	s0 =	sld [smem:$0x3FAE]  }
0x30: {  	s3 =	sld [smem:$0x3FB1]  }
0x31: {  	[smem:$0x3FBA] =	sst s10  }
0x32: {  	s10 =	sld [smem:$0x3FB8];
	_ =	sdelay $0x3  }
0x33: {  	p0 =	seq.s32 s10, $0x1;
	s10 =	sld [smem:$0x3FBA];
	_ =	sdelay $0x3  }
0x34: {  	[smem:$0x3FBA] =	sst s10  }
0x35: {  	s10 =	sld [smem:$0x3FB9];
	_ =	sdelay $0x3  }
0x36: {  	p1 =	seq.s32 s10, $0x1;
	s10 =	sld [smem:$0x3FBA];
	_ =	sdelay $0x3  }
0x37: {  	[smem:$0x3FBA] =	sst s10  }
0x38: {  	s10 =	sld [smem:$0x3FBB]  }
0x39: {  	_ = 	snop;
	(pc) =	sbr.ind lr, $3  }
0x3a: {  	_ = 	snop  }
0x3b: {  	_ = 	snop  }
0x3c: {  	p2 =	seq.s32 s10, $0x1;
	s10 =	sld [smem:$0x3FBA]  }
0x3d: {  	_ =	shalt  }
0x3e: {  	_ =	shalt  }
0x3f: {  	_ =	shalt  }
0x40: {  	_ =	shalt  }
0x41: {  	_ =	shalt  }
0x42: {  	_ =	shalt  }
0x43: {  	_ =	shalt  }
0x44: {  	_ =	shalt  }
0x45: {  	_ =	shalt  }
0x46: {  	_ =	shalt  }
0x47: {  	_ =	shalt  }
0x48: {  	_ =	shalt  }
0x49: {  	_ =	shalt  }
0x4a: {  	_ =	shalt  }
0x4b: {  	_ =	shalt  }
0x4c: {  	_ =	shalt  }
0x4d: {  	_ =	shalt  }
0x4e: {  	_ =	shalt  }
0x4f: {  	_ =	shalt  }
0x50: {  	_ =	shalt  }
0x51: {  	_ =	shalt  }
0x52: {  	_ =	shalt  }
0x53: {  	_ =	shalt  }
0x54: {  	_ =	shalt  }
0x55: {  	_ =	shalt  }
0x56: {  	_ =	shalt  }
0x57: {  	_ =	shalt  }
0x58: {  	_ =	shalt  }
0x59: {  	_ =	shalt  }
0x5a: {  	_ =	shalt  }
0x5b: {  	_ =	shalt  }
0x5c: {  	_ =	shalt  }
0x5d: {  	_ =	shalt  }
0x5e: {  	_ =	shalt  }
0x5f: {  	_ =	shalt  }
0x60: {  	_ =	shalt  }
0x61: {  	_ =	shalt  }
0x62: {  	_ =	shalt  }
0x63: {  	_ =	shalt  }
0x64: {  	_ =	shalt  }
0x65: {  	_ =	shalt  }
0x66: {  	_ =	shalt  }
0x67: {  	_ =	shalt  }
0x68: {  	_ =	shalt  }
0x69: {  	_ =	shalt  }
0x6a: {  	_ =	shalt  }
0x6b: {  	_ =	shalt  }
0x6c: {  	_ =	shalt  }
0x6d: {  	_ =	shalt  }
0x6e: {  	_ =	shalt  }
0x6f: {  	_ =	shalt  }
0x70: {  	_ =	shalt  }
0x71: {  	_ =	shalt  }
0x72: {  	_ =	shalt  }
0x73: {  	_ =	shalt  }
0x74: {  	_ =	shalt  }
0x75: {  	_ =	shalt  }
0x76: {  	_ =	shalt  }
0x77: {  	_ =	shalt  }
0x78: {  	_ =	shalt  }
0x79: {  	_ =	shalt  }
0x7a: {  	_ =	shalt  }
0x7b: {  	_ =	shalt  }
0x7c: {  	_ =	shalt  }
0x7d: {  	_ =	shalt  }
0x7e: {  	_ =	shalt  }
0x7f: {  	_ =	shalt  }
0x80: {  	_ =	shalt  }
0x81: {  	_ =	shalt  }
0x82: {  	_ =	shalt  }
0x83: {  	_ =	shalt  }
0x84: {  	_ =	shalt  }
0x85: {  	_ =	shalt  }
0x86: {  	_ =	shalt  }
0x87: {  	_ =	shalt  }
.Lfunc_end0:
.L_simem_size_0:
called_computation_lowered:
.L_overlay_start_0:
0x88: {  	s2 =	sld [smem:$0x3FD9]  }
0x89: {  	s3 =	sld [smem:$0x3FFE];
	_ =	sdelay $0x1  }
0x8a: {  	s1 =	srdreg.scid  }
0x8b: {  	s0 =	sand.u32 $0x1, s1  }
0x8c: {  	s18 =	sshll.u32 s0, $0xA;
	s2 =	sadd.s32 s3, s2  }
0x8d: {  	s2 =	sadd.s32 s2, s18  }
0x8e: {  	[smem:$0x3FC6] =	sst s2  }
0x8f: {  	_ = 	snop  }
0x90: {  	s2 =	sld [smem:$0x3FC9]  }
0x91: {  	s19 =	sld [smem:$0x3FC8]  }
0x92: {  	s4 =	sld [smem:$0x3FD0];
	(tm) =	ssettm $0x1  }
0x93: {  	s5 =	sld [smem:$0x3FFB];
	_ =	sdelay $0x3  }
0x94: {  	_ =	strace s5  }
0x95: {  	s5 =	sld [smem:$0x3FFC];
	_ =	sdelay $0x3  }
0x96: {  	_ =	strace s5  }
0x97: {  	s5 =	sld [smem:$0x3FFD];
	_ =	sdelay $0x3  }
0x98: {  	_ =	strace s5  }
0x99: {  	_ =	strace $0x8FFFFFFF  }
0x9a: {  	s20 =	sld [smem:$0x3FDB];
	_ =	sdelay $0x1  }
0x9b: {  	s6 =	simm.s32 $_scs_section_size  }
0x9c: {  	s7 =	simm.s32 $_size__tile_overlayer_lowered;
	s8 =	simm.s32 $_tile_overlayer_lowered  }
0x9d: {  	s23 =	simm.s32 $0x1BFF;
	s22 =	sshll.u32 s8, $0x1;
	s5 =	sadd.s32 s6, s20  }
0x9e: {  	s9 =	simm.s32 $0x0;
	s21 =	sshll.u32 s7, $0x1;
	s7 =	sadd.s32 s22, s5  }
0x9f: {  	[timem:s9], [sflag:s23] =	dma.local [hbm:s7], s21  }
0xa0: {  	_ =	swait.ge [sflag:s23], s21  }
0xa1: {  	s6 =	ssub.s32 $0x0, s21;
	[sflag:s23] =	ssyncset.done $0x0  }
0xa2: {  	[sflag:s23] =	ssyncadd.s32 s6;
	_ =	sdelay $0x1  }
0xa3: {  	s24 =	simm.s32 $0x1B8B  }
0xa4: {  	_ =	swait.ge [sflag:s24], $0x1  }
0xa5: {  	[sflag:s24] =	ssyncset.done $0x0  }
0xa6: {  	s25 =	simm.s32 $0x1B8E;
	[sflag:s24] =	ssyncadd.s32 $0xFFFFFFFF  }
0xa7: {  	s26 =	simm.s32 $execute0_lowered;
	[smem:$0x3FD2] =	sst s25  }
0xa8: {  	s6 =	sshll.u32 s26, $0x1;
	_ =	strace $0x80000046;
	[dreg:$0x1] =	wrdreg $0xFFFFFFFF  }
0xa9: {  	s28 =	simm.s32 $_size_execute0_lowered;
	s5 =	sadd.s32 s5, s6;
	[dreg:$0x0] =	wrdreg $0x0  }
0xaa: {  	s6 =	sshll.u32 s28, $0x1;
	[dreg:$0x2] =	wrdreg s5  }
0xab: {  	[dreg:$0x3] =	wrdreg s6  }
0xac: {  	[dreg:$0x4] =	wrdreg $0xC0  }
0xad: {  	_ =	task [dreg:s9], $0x5FFFF  }
0xae: {  	[dreg:$0x1] =	wrdreg $0xFFFFFFFF  }
0xaf: {  	[dreg:$0x0] =	wrdreg $0x60  }
0xb0: {  	[dreg:$0x2] =	wrdreg s2  }
0xb1: {  	[dreg:$0x3] =	wrdreg s19  }
0xb2: {  	[dreg:$0x4] =	wrdreg s4  }
0xb3: {  	[dreg:$0x5] =	wrdreg $0x9  }
0xb4: {  	_ =	task.clear_ibuf [dreg:s9], $0x6FFFF;
	_ =	strace $0x90000046  }
0xb5: {  	s29 =	simm.s32 $0x9;
	_ =	strace $0x80000048  }
0xb6: {  	_ =	swait.ge [sflag:s29], $0x1  }
0xb7: {  	[sflag:s29] =	ssyncadd.s32 $0xFFFFFFFF  }
0xb8: {  	_ =	strace $0x90000048  }
0xb9: {  	_ =	sfence  }
0xba: {  	s30 =	sld [smem:$0x0];
	_ =	sdelay $0x2  }
0xbb: {  	s31 =	sshll.u32 s1, $0xD;
	s1 =	sshrl.u32 s1, $0x2  }
0xbc: {  	s3 =	sand.u32 $0x4000, s31;
	s1 =	sadd.s32 s1, s30  }
0xbd: {  	s0 =	sor.u32 s3, s0;
	s1 =	sshll.u32 s1, $0x11  }
0xbe: {  	s0 =	sor.u32 s1, s0  }
0xbf: {  	s0 =	sadd.s32 $0x8F2B, s0  }
0xc0: {  	[sflag:s0] =	ssyncadd.remote.s32 $0x1  }
0xc1: {  	_ =	sfence.sel $0xFFFF  }
0xc2: {  	[dreg:$0x0] =	wrdreg $0xFFFFFFFF;
	(pc) =	sbr.abs _section_cstart, $3  }
0xc3: {  	[dreg:$0x1] =	wrdreg $0xFFFFFFFF  }
0xc4: {  	_ =	task.clear_ibuf [dreg:s9], $0x2FFFF;
	_ =	strace $0x9FFFFFFF  }
0xc5: {  	(tm) =	ssettm $0x7FFFFFFF  }
tec
execute0_lowered:
.L_overlay_start_1:
0x0: {  	(tag) =	ssettag $0x1  }
0x1: {  	s2 =	rddreg [dreg:$0x0]  }
0x2: {  	s4 =	rddreg [dreg:$0x2]  }
0x3: {  	s0 =	srdreg.scid;
	s1 =	stileid.u32  }
0x4: {  	s5 =	simm.s32 $0x0;
	s17 =	simm.s32 $0x400;
	s18 =	simm.s32 $0x7A1400  }
0x5: {  	s19 =	simm.s32 $0x2000;
	s20 =	simm.s32 $0x4000;
	s21 =	simm.s32 $0x6000  }
0x6: {  	s22 =	simm.s32 $0x1;
	s28 =	simm.s32 $0x5;
	s29 =	simm.s32 $0x4  }
0x7: {  	s30 =	simm.s32 $0x6;
	s31 =	simm.s32 $0x0;
	s0 =	sand.u32 $0x1, s0  }
0x8: {  	s1 =	sshll.u32 s1, $0x1;
	[smem:$0x7FF] =	sst s5;
	s26 =	sadd.s32 $0x7A1000, s4  }
0x9: {  	s3 =	ssub.s32 $0x2, s0;
	s6 =	sor.u32 s0, s1;
	_ =	strace $0x80000047  }
0xa: {  	[dreg:$0x8] =	wrdreg s26;
	s26 =	simm.s32 $0x3;
	s23 =	sshrl.u32 s3, $0x1  }
0xb: {  	s1 =	sshll.u32 s6, $0x7;
	s11 =	sor.u32 $0x80, s6;
	s12 =	sor.u32 $0xA0, s6  }
0xc: {  	s13 =	sor.u32 $0xC0, s6;
	s14 =	sor.u32 $0xE0, s6;
	s1 =	sadd.s32 s2, s1  }
.Ltmp0:
0xd: {  	s24 =	sadd.s32 $0x1000, s1;
	[dreg:$0x4] =	wrdreg s1;
	(pc) =	sbr.rel .LBB2_1-.Ltmp0, $4  }
0xe: {  	p0 =	sne.s32 s6, $0x4;
	s25 =	sadd.s32 $0x2000, s1;
	[dreg:$0x5] =	wrdreg s24  }
0xf: {  	v0 =	vlaneseq.u32;
	s0 =	ssub.s32 s3, s23;
	s1 =	sadd.s32 $0x3000, s1;
	[dreg:$0x6] =	wrdreg s25  }
0x10: {  	v1 =	vand.u32 $0x1, v0;
	s23 =	simm.s32 $0x8000;
	s0 =	smax.u32 s0, $0x1;
	[dreg:$0x7] =	wrdreg s1  }
0x11: {  	v1 =	vmul.u32 $0x40, v1;
	[dreg:$0x9] =	wrdreg s0;
	s24 =	simm.s32 $0x2;
	s25 =	simm.s32 $0xA000  }
.LBB2_27:
0x12: {  	_ =	swait.ge [sflag:s28], $0x2000  }
0x13: {  	[sflag:s28] =	ssyncset.done $0x0  }
0x14: {  	[sflag:s28] =	ssyncadd.s32 $0xFFFFE000  }
0x15: {  	_ =	swait.ge [sflag:s30], $0x2000  }
0x16: {  	[sflag:s30] =	ssyncset.done $0x0  }
0x17: {  	[sflag:s30] =	ssyncadd.s32 $0xFFFFE000  }
0x18: {  	s0 =	simm.s32 @!p0 $0x0;
	s1 =	simm.s32 @!p0 $0x8000;
	s3 =	rddreg [dreg:$0x1]  }
0x19: {  	[tilespmem:s1], [sflag:$0x7] =	stream.linear.gather @!p0 [hbm4b:s3+s0], $0x1000, $0x38;
	[tilespmem:$0xC000] =	vst v63  }
0x1a: {  	s3 =	simm.s32 @!p0 $0x7  }
0x1b: {  	_ =	swait.ge @!p0 [sflag:s3], $0x1000  }
0x1c: {  	[sflag:s3] =	ssyncset.done @!p0 $0x0  }
0x1d: {  	s7 =	rddreg [dreg:$0x8];
	[sflag:s3] =	ssyncadd.s32 @!p0 $0xFFFFF000  }
0x1e: {  	[hbm4b:s7+s0] =	stream.linear.scatter @!p0 [tilespmem:s1], [sflag:$0x7], $0x1000, $0x38;
	[tilespmem:$0xC000] =	vst v63  }
0x1f: {  	_ =	swait.ge @!p0 [sflag:s3], $0x1000  }
0x20: {  	s31 =	sadd.s32 $0x1, s31;
	s16 =	rddreg [dreg:$0x9]  }
0x21: {  	p1 =	sne.s32 s31, s16  }
.Ltmp1:
0x22: {  	_ = 	snop;
	(pc) =	sbr.rel @!p1 .LBB2_28-.Ltmp1, $3  }
0x23: {  	_ =	sdelay $0x1  }
0x24: {  	[sflag:s3] =	ssyncset.done @!p0 $0x0  }
0x25: {  	[sflag:s3] =	ssyncadd.s32 @!p0 $0xFFFFF000  }
.LBB2_1:
0x26: {  	s0 =	rddreg [dreg:$0x4]  }
0x27: {  	[tilespmem:s5], [sflag:$0x1] =	stream.strided.gather [hbm4b:s0+s17], $0x2000, s18, s17, $0x38;
	[tilespmem:$0xC000] =	vst v63  }
0x28: {  	s10 =	rddreg [dreg:$0x5]  }
0x29: {  	[tilespmem:s19], [sflag:$0x2] =	stream.strided.gather [hbm4b:s10+s17], $0x2000, s18, s17, $0x38;
	[tilespmem:$0xC000] =	vst v63  }
.Ltmp2:
0x2a: {  	_ = 	snop;
	(pc) =	sbr.rel .LBB2_2-.Ltmp2, $4  }
0x2b: {  	s15 =	rddreg [dreg:$0x6]  }
0x2c: {  	[tilespmem:s20], [sflag:$0x3] =	stream.strided.gather [hbm4b:s15+s17], $0x2000, s18, s17, $0x38;
	[tilespmem:$0xC000] =	vst v63  }
0x2d: {  	s16 =	rddreg [dreg:$0x7];
	s0 =	simm.s32 $0x0  }
0x2e: {  	[tilespmem:s21], [sflag:$0x4] =	stream.strided.gather [hbm4b:s16+s17], $0x2000, s18, s17, $0x38;
	[tilespmem:$0xC000] =	vst v63  }
.LBB2_26:
0x2f: {  	s1 =	sadd.s32 s14, s1  }
0x30: {  	p1 =	sgt.u32 s1, $0x1E83  }
0x31: {  	s0 =	sadd.s32 $0x1, s0;
	s1 =	sshll.u32 @!p1 s1, $0x7;
	s3 =	simm.s32 @!p1 $0x400  }
0x32: {  	s7 =	simm.s32 @!p1 $0x7A1400;
	s8 =	simm.s32 @!p1 $0x6000;
	s1 =	sadd.s32 @!p1 s2, s1  }
0x33: {  	[tilespmem:s8], [sflag:$0x4] =	stream.strided.gather @!p1 [hbm4b:s1+s3], $0x2000, s7, s3, $0x38;
	[tilespmem:$0xC000] =	vst v63  }
0x34: {  	p1 =	sne.s32 s0, $0x3E  }
.Ltmp3:
0x35: {  	_ = 	snop;
	(pc) =	sbr.rel @!p1 .LBB2_27-.Ltmp3, $1  }
0x36: {  	_ =	sdelay $0x3  }
.LBB2_2:
0x37: {  	s1 =	sshll.u32 s0, $0x7  }
0x38: {  	s3 =	sor.u32 s6, s1  }
0x39: {  	p2 =	sgt.u32 s3, $0x1E83  }
.Ltmp4:
0x3a: {  	_ = 	snop;
	(pc) =	sbr.rel @p2 .LBB2_8-.Ltmp4, $2  }
0x3b: {  	_ =	sdelay $0x2  }
0x3c: {  	p1 =	seq.s32 s0, $0x0  }
0x3d: {  	_ =	swait.ge [sflag:s22], $0x2000  }
0x3e: {  	[sflag:s22] =	ssyncset.done $0x0  }
0x3f: {  	s8 =	simm.s32 @!p1 $0x5;
	[sflag:s22] =	ssyncadd.s32 $0xFFFFE000  }
0x40: {  	_ =	swait.ge @!p1 [sflag:s8], $0x2000  }
0x41: {  	[sflag:s8] =	ssyncset.done @!p1 $0x0  }
0x42: {  	s9 =	simm.s32 $0x0;
	[sflag:s8] =	ssyncadd.s32 @!p1 $0xFFFFE000;
	s8 =	simm.s32 $0x0  }
.LBB2_4:
0x43: {  	s10 =	sshll.u32 s9, $0x2;
	s15 =	sshll.u32 s9, $0x4;
	v5 =	vadd.s32 s8, v0;
	s7 =	simm.s32 $0x3  }
0x44: {  	s10 =	sand.u32 $0x70, s10;
	s16 =	sand.u32 $0x30, s15;
	v11 =	vand.u32 $0xF, v5;
	v5 =	vadd.s32 s7, v0  }
0x45: {  	s15 =	simm.s32 $0x2;
	v2 =	vor.u32 s10, v0;
	v3 =	vmov s16;
	v15 =	vand.u32 $0xF, v5  }
0x46: {  	v5 =	vadd.s32 s15, v0;
	v4 =	vshll.u32 v2, $0x6;
	v6 =	vor.u32 v3, v11  }
0x47: {  	v7 =	vor.u32 v3, v15;
	v4 =	vand.u32 $0x1F80, v4;
	v6 =	vshll.u32 v6, $0x7  }
0x48: {  	v5 =	vand.u32 $0xF, v5;
	v4 =	vor.u32 s16, v4;
	v9 =	vor.u32 v2, v6;
	s16 =	simm.s32 $0x1  }
0x49: {  	v6 =	vshll.u32 v7, $0x7;
	v7 =	vor.u32 v3, v5;
	v8 =	vadd.s32 s16, v0  }
0x4a: {  	v7 =	vshll.u32 v7, $0x7;
	v13 =	vor.u32 v2, v6;
	v6 =	vand.u32 $0xF, v8  }
0x4b: {  	s7 =	simm.s32 $0x4;
	v18 =	vor.u32 v2, v7;
	v7 =	vor.u32 v3, v6  }
0x4c: {  	v8 =	vadd.s32 s7, v0;
	v7 =	vshll.u32 v7, $0x7  }
0x4d: {  	s15 =	simm.s32 $0x7;
	v8 =	vand.u32 $0xF, v8;
	v12 =	vor.u32 v2, v7  }
0x4e: {  	v14 =	vadd.s32 s15, v0;
	v10 =	vor.u32 v3, v8  }
0x4f: {  	v4 =	vor.u32 v1, v4;
	v16 =	vshll.u32 v10, $0x7;
	v7 =	vand.u32 $0xF, v14;
	v10 =	vld.idx.msk [tilespmem:v9+s5+$0x0], $0xffff  }
0x50: {  	s16 =	simm.s32 $0x6;
	v14 =	vor.u32 v4, v11;
	v9 =	vor.u32 v2, v16;
	v16 =	vor.u32 v3, v7;
	v11 =	vld.idx.msk [tilespmem:v13+s5+$0x0], $0xffff  }
0x51: {  	s10 =	simm.s32 $0x8;
	s15 =	simm.s32 $0x5;
	v17 =	vadd.s32 s16, v0;
	v15 =	vor.u32 v4, v15;
	v16 =	vshll.u32 v16, $0x7;
	v13 =	vld.idx.msk [tilespmem:v18+s5+$0x0], $0xffff  }
.LBB2_5:
0x52: {  	p2 =	slt.u32 s10, $0xC;
	v18 =	vadd.s32 s15, v0;
	v19 =	vld.idx.msk [tilespmem:v12+s5+$0x0], $0xffff;
	v20 =	vor.u32 v4, v5;
	v5 =	vand.u32 $0xF, v17  }
0x53: {  	v17 =	vor.u32 v4, v6;
	v12 =	vor.u32 v3, v5;
	v6 =	vand.u32 $0xF, v18  }
0x54: {  	v16 =	vor.u32 v2, v16;
	v18 =	vor.u32 v3, v6;
	v12 =	vshll.u32 v12, $0x7  }
0x55: {  	v21 =	vadd.s32 s10, v0;
	v18 =	vshll.u32 v18, $0x7;
	v22 =	vor.u32 v2, v12;
	[tilespmem:v14+s23+$0x0] =	vst.idx.msk $0xffff, v10  }
.Ltmp5:
0x56: {  	s15 =	sadd.s32 $0x3, s10;
	v21 =	vand.u32 $0xF, v21;
	v12 =	vor.u32 v2, v18;
	[tilespmem:v15+s23+$0x0] =	vst.idx.msk $0xffff, v11;
	(pc) =	sbr.rel @p2 .LBB2_5-.Ltmp5, $4  }
0x57: {  	v10 =	vor.u32 v3, v21;
	v11 =	vadd.s32 s15, v0;
	[tilespmem:v20+s23+$0x0] =	vst.idx.msk $0xffff, v13  }
0x58: {  	v13 =	vshll.u32 v10, $0x7;
	v18 =	vand.u32 $0xF, v11;
	v10 =	vld.idx.msk [tilespmem:v9+s5+$0x0], $0xffff;
	[tilespmem:v17+s23+$0x0] =	vst.idx.msk $0xffff, v19  }
0x59: {  	s16 =	sadd.s32 $0x2, s10;
	v14 =	vor.u32 v4, v8;
	v9 =	vor.u32 v2, v13;
	v13 =	vor.u32 v3, v18;
	v11 =	vld.idx.msk [tilespmem:v16+s5+$0x0], $0xffff  }
0x5a: {  	v8 =	vmovc v21;
	s15 =	sadd.s32 $0x1, s10;
	s10 =	sadd.s32 $0x4, s10;
	v15 =	vor.u32 v4, v7;
	v17 =	vadd.s32 s16, v0;
	v7 =	vmovc v18;
	v16 =	vshll.u32 v13, $0x7;
	v13 =	vld.idx.msk [tilespmem:v22+s5+$0x0], $0xffff  }
0x5b: {  	v18 =	vadd.s32 s15, v0;
	v17 =	vand.u32 $0xF, v17  }
0x5c: {  	v18 =	vand.u32 $0xF, v18;
	v19 =	vor.u32 v3, v17  }
0x5d: {  	v16 =	vor.u32 v2, v16;
	v3 =	vor.u32 v3, v18;
	v19 =	vshll.u32 v19, $0x7  }
0x5e: {  	v3 =	vshll.u32 v3, $0x7;
	v19 =	vor.u32 v2, v19  }
0x5f: {  	v5 =	vor.u32 v4, v5;
	v2 =	vor.u32 v2, v3  }
0x60: {  	v9 =	vld.idx.msk [tilespmem:v9+s5+$0x0], $0xffff;
	v8 =	vor.u32 v4, v8  }
0x61: {  	v6 =	vor.u32 v4, v6;
	v3 =	vld.idx.msk [tilespmem:v12+s5+$0x0], $0xffff  }
0x62: {  	v7 =	vor.u32 v4, v7;
	[tilespmem:v14+s23+$0x0] =	vst.idx.msk $0xffff, v10;
	v60 =	vld.idx.msk [tilespmem:v16+s5+$0x0], $0xffff  }
0x63: {  	s9 =	sadd.s32 $0x1, s9;
	v62 =	vor.u32 v4, v17;
	[tilespmem:v15+s23+$0x0] =	vst.idx.msk $0xffff, v11;
	v61 =	vld.idx.msk [tilespmem:v19+s5+$0x0], $0xffff  }
0x64: {  	p2 =	sne.s32 s9, $0x20;
	v63 =	vor.u32 v4, v18;
	[tilespmem:v5+s23+$0x0] =	vst.idx.msk $0xffff, v13;
	v2 =	vld.idx.msk [tilespmem:v2+s5+$0x0], $0xffff  }
.Ltmp6:
0x65: {  	[tilespmem:v8+s23+$0x0] =	vst.idx.msk $0xffff, v9;
	(pc) =	sbr.rel @p2 .LBB2_4-.Ltmp6, $4  }
0x66: {  	[tilespmem:v6+s23+$0x0] =	vst.idx.msk $0xffff, v3  }
0x67: {  	[tilespmem:v7+s23+$0x0] =	vst.idx.msk $0xffff, v60  }
0x68: {  	[tilespmem:v62+s23+$0x0] =	vst.idx.msk $0xffff, v61  }
0x69: {  	[tilespmem:v63+s23+$0x0] =	vst.idx.msk $0xffff, v2  }
0x6a: {  	s8 =	sshll.u32 s3, $0xA  }
0x6b: {  	s8 =	sadd.s32 s4, s8  }
0x6c: {  	[hbm4b:s8+s5] =	stream.linear.scatter [tilespmem:s23], [sflag:$0x5], $0x2000, $0x38;
	[tilespmem:$0xC000] =	vst v63  }
.LBB2_8:
0x6d: {  	s8 =	sadd.s32 s11, s1  }
0x6e: {  	p2 =	sgt.u32 s8, $0x1E83  }
0x6f: {  	s8 =	sshll.u32 @!p2 s8, $0x7;
	s9 =	simm.s32 @!p2 $0x400  }
0x70: {  	s10 =	simm.s32 @!p2 $0x7A1400;
	s15 =	simm.s32 @!p2 $0x0;
	s8 =	sadd.s32 @!p2 s2, s8  }
0x71: {  	[tilespmem:s15], [sflag:$0x1] =	stream.strided.gather @!p2 [hbm4b:s8+s9], $0x2000, s10, s9, $0x38;
	[tilespmem:$0xC000] =	vst v63  }
0x72: {  	s8 =	sor.u32 $0x20, s3  }
0x73: {  	p2 =	sgt.u32 s8, $0x1E83  }
.Ltmp7:
0x74: {  	_ = 	snop;
	(pc) =	sbr.rel @p2 .LBB2_14-.Ltmp7, $1  }
0x75: {  	_ =	sdelay $0x3  }
0x76: {  	_ =	swait.ge [sflag:s24], $0x2000  }
0x77: {  	[sflag:s24] =	ssyncset.done $0x0  }
0x78: {  	s9 =	simm.s32 @!p1 $0x6;
	[sflag:s24] =	ssyncadd.s32 $0xFFFFE000  }
0x79: {  	_ =	swait.ge @!p1 [sflag:s9], $0x2000  }
0x7a: {  	[sflag:s9] =	ssyncset.done @!p1 $0x0  }
0x7b: {  	s10 =	simm.s32 $0x0;
	[sflag:s9] =	ssyncadd.s32 @!p1 $0xFFFFE000;
	s9 =	simm.s32 $0x0  }
.LBB2_10:
0x7c: {  	s15 =	sshll.u32 s10, $0x2;
	s16 =	sshll.u32 s10, $0x4;
	v5 =	vadd.s32 s9, v0;
	s7 =	simm.s32 $0x3  }
0x7d: {  	s15 =	sand.u32 $0x70, s15;
	s16 =	sand.u32 $0x30, s16;
	v11 =	vand.u32 $0xF, v5;
	v5 =	vadd.s32 s7, v0  }
0x7e: {  	s7 =	simm.s32 $0x2;
	v2 =	vor.u32 s15, v0;
	v3 =	vmov s16;
	v15 =	vand.u32 $0xF, v5  }
0x7f: {  	v5 =	vadd.s32 s7, v0;
	v4 =	vshll.u32 v2, $0x6;
	v6 =	vor.u32 v3, v11  }
0x80: {  	v7 =	vor.u32 v3, v15;
	v4 =	vand.u32 $0x1F80, v4;
	v6 =	vshll.u32 v6, $0x7  }
0x81: {  	v5 =	vand.u32 $0xF, v5;
	v4 =	vor.u32 s16, v4;
	v9 =	vor.u32 v2, v6;
	s16 =	simm.s32 $0x1  }
0x82: {  	v6 =	vshll.u32 v7, $0x7;
	v7 =	vor.u32 v3, v5;
	v8 =	vadd.s32 s16, v0  }
0x83: {  	v7 =	vshll.u32 v7, $0x7;
	v13 =	vor.u32 v2, v6;
	v6 =	vand.u32 $0xF, v8  }
0x84: {  	s7 =	simm.s32 $0x4;
	v18 =	vor.u32 v2, v7;
	v7 =	vor.u32 v3, v6  }
0x85: {  	v8 =	vadd.s32 s7, v0;
	v7 =	vshll.u32 v7, $0x7  }
0x86: {  	s16 =	simm.s32 $0x7;
	v8 =	vand.u32 $0xF, v8;
	v12 =	vor.u32 v2, v7  }
0x87: {  	v14 =	vadd.s32 s16, v0;
	v10 =	vor.u32 v3, v8  }
0x88: {  	v4 =	vor.u32 v1, v4;
	v16 =	vshll.u32 v10, $0x7;
	v7 =	vand.u32 $0xF, v14;
	v10 =	vld.idx.msk [tilespmem:v9+s19+$0x0], $0xffff  }
0x89: {  	s7 =	simm.s32 $0x6;
	v14 =	vor.u32 v4, v11;
	v9 =	vor.u32 v2, v16;
	v16 =	vor.u32 v3, v7;
	v11 =	vld.idx.msk [tilespmem:v13+s19+$0x0], $0xffff  }
0x8a: {  	s15 =	simm.s32 $0x8;
	s16 =	simm.s32 $0x5;
	v15 =	vor.u32 v4, v15;
	v17 =	vadd.s32 s7, v0;
	v16 =	vshll.u32 v16, $0x7;
	v13 =	vld.idx.msk [tilespmem:v18+s19+$0x0], $0xffff  }
.LBB2_11:
0x8b: {  	p1 =	slt.u32 s15, $0xC;
	v18 =	vadd.s32 s16, v0;
	v19 =	vld.idx.msk [tilespmem:v12+s19+$0x0], $0xffff;
	v20 =	vor.u32 v4, v5;
	v5 =	vand.u32 $0xF, v17  }
0x8c: {  	v17 =	vor.u32 v4, v6;
	v12 =	vor.u32 v3, v5;
	v6 =	vand.u32 $0xF, v18  }
0x8d: {  	v16 =	vor.u32 v2, v16;
	v18 =	vor.u32 v3, v6;
	v12 =	vshll.u32 v12, $0x7  }
0x8e: {  	v21 =	vadd.s32 s15, v0;
	v18 =	vshll.u32 v18, $0x7;
	v22 =	vor.u32 v2, v12;
	[tilespmem:v14+s25+$0x0] =	vst.idx.msk $0xffff, v10  }
.Ltmp8:
0x8f: {  	s16 =	sadd.s32 $0x3, s15;
	v21 =	vand.u32 $0xF, v21;
	v12 =	vor.u32 v2, v18;
	[tilespmem:v15+s25+$0x0] =	vst.idx.msk $0xffff, v11;
	(pc) =	sbr.rel @p1 .LBB2_11-.Ltmp8, $4  }
0x90: {  	v10 =	vor.u32 v3, v21;
	v11 =	vadd.s32 s16, v0;
	[tilespmem:v20+s25+$0x0] =	vst.idx.msk $0xffff, v13  }
0x91: {  	v13 =	vshll.u32 v10, $0x7;
	v18 =	vand.u32 $0xF, v11;
	v10 =	vld.idx.msk [tilespmem:v9+s19+$0x0], $0xffff;
	[tilespmem:v17+s25+$0x0] =	vst.idx.msk $0xffff, v19  }
0x92: {  	s7 =	sadd.s32 $0x2, s15;
	v14 =	vor.u32 v4, v8;
	v9 =	vor.u32 v2, v13;
	v13 =	vor.u32 v3, v18;
	v11 =	vld.idx.msk [tilespmem:v16+s19+$0x0], $0xffff  }
0x93: {  	v8 =	vmovc v21;
	s16 =	sadd.s32 $0x1, s15;
	s15 =	sadd.s32 $0x4, s15;
	v15 =	vor.u32 v4, v7;
	v17 =	vadd.s32 s7, v0;
	v7 =	vmovc v18;
	v16 =	vshll.u32 v13, $0x7;
	v13 =	vld.idx.msk [tilespmem:v22+s19+$0x0], $0xffff  }
0x94: {  	v18 =	vadd.s32 s16, v0;
	v17 =	vand.u32 $0xF, v17  }
0x95: {  	v18 =	vand.u32 $0xF, v18;
	v19 =	vor.u32 v3, v17  }
0x96: {  	v16 =	vor.u32 v2, v16;
	v3 =	vor.u32 v3, v18;
	v19 =	vshll.u32 v19, $0x7  }
0x97: {  	v3 =	vshll.u32 v3, $0x7;
	v19 =	vor.u32 v2, v19  }
0x98: {  	v5 =	vor.u32 v4, v5;
	v2 =	vor.u32 v2, v3  }
0x99: {  	v9 =	vld.idx.msk [tilespmem:v9+s19+$0x0], $0xffff;
	v8 =	vor.u32 v4, v8  }
0x9a: {  	v6 =	vor.u32 v4, v6;
	v3 =	vld.idx.msk [tilespmem:v12+s19+$0x0], $0xffff  }
0x9b: {  	v7 =	vor.u32 v4, v7;
	[tilespmem:v14+s25+$0x0] =	vst.idx.msk $0xffff, v10;
	v60 =	vld.idx.msk [tilespmem:v16+s19+$0x0], $0xffff  }
0x9c: {  	s10 =	sadd.s32 $0x1, s10;
	v62 =	vor.u32 v4, v17;
	[tilespmem:v15+s25+$0x0] =	vst.idx.msk $0xffff, v11;
	v61 =	vld.idx.msk [tilespmem:v19+s19+$0x0], $0xffff  }
0x9d: {  	p1 =	sne.s32 s10, $0x20;
	v63 =	vor.u32 v4, v18;
	[tilespmem:v5+s25+$0x0] =	vst.idx.msk $0xffff, v13;
	v2 =	vld.idx.msk [tilespmem:v2+s19+$0x0], $0xffff  }
.Ltmp9:
0x9e: {  	[tilespmem:v8+s25+$0x0] =	vst.idx.msk $0xffff, v9;
	(pc) =	sbr.rel @p1 .LBB2_10-.Ltmp9, $4  }
0x9f: {  	[tilespmem:v6+s25+$0x0] =	vst.idx.msk $0xffff, v3  }
0xa0: {  	[tilespmem:v7+s25+$0x0] =	vst.idx.msk $0xffff, v60  }
0xa1: {  	[tilespmem:v62+s25+$0x0] =	vst.idx.msk $0xffff, v61  }
0xa2: {  	[tilespmem:v63+s25+$0x0] =	vst.idx.msk $0xffff, v2  }
0xa3: {  	s7 =	sshll.u32 s8, $0xA  }
0xa4: {  	s7 =	sadd.s32 s4, s7  }
0xa5: {  	[hbm4b:s7+s5] =	stream.linear.scatter [tilespmem:s25], [sflag:$0x6], $0x2000, $0x38;
	[tilespmem:$0xC000] =	vst v63  }
.LBB2_14:
0xa6: {  	s7 =	sadd.s32 s12, s1  }
0xa7: {  	p1 =	sgt.u32 s7, $0x1E83  }
0xa8: {  	s7 =	sshll.u32 @!p1 s7, $0x7;
	s8 =	simm.s32 @!p1 $0x400  }
0xa9: {  	s9 =	simm.s32 @!p1 $0x7A1400;
	s10 =	simm.s32 @!p1 $0x2000;
	s7 =	sadd.s32 @!p1 s2, s7  }
0xaa: {  	[tilespmem:s10], [sflag:$0x2] =	stream.strided.gather @!p1 [hbm4b:s7+s8], $0x2000, s9, s8, $0x38;
	[tilespmem:$0xC000] =	vst v63  }
0xab: {  	s8 =	sor.u32 $0x40, s3  }
0xac: {  	p1 =	sgt.u32 s8, $0x1E83  }
.Ltmp10:
0xad: {  	_ = 	snop;
	(pc) =	sbr.rel @p1 .LBB2_20-.Ltmp10, $1  }
0xae: {  	_ =	sdelay $0x3  }
0xaf: {  	_ =	swait.ge [sflag:s26], $0x2000  }
0xb0: {  	[sflag:s26] =	ssyncset.done $0x0  }
0xb1: {  	[sflag:s26] =	ssyncadd.s32 $0xFFFFE000  }
0xb2: {  	_ =	swait.ge [sflag:s28], $0x2000  }
0xb3: {  	[sflag:s28] =	ssyncset.done $0x0  }
0xb4: {  	s9 =	simm.s32 $0x0;
	s10 =	simm.s32 $0x0;
	[sflag:s28] =	ssyncadd.s32 $0xFFFFE000  }
.LBB2_16:
0xb5: {  	s7 =	sshll.u32 s10, $0x2;
	s15 =	sshll.u32 s10, $0x4;
	v5 =	vadd.s32 s9, v0;
	s16 =	simm.s32 $0x3  }
0xb6: {  	s7 =	sand.u32 $0x70, s7;
	s15 =	sand.u32 $0x30, s15;
	v11 =	vand.u32 $0xF, v5;
	v5 =	vadd.s32 s16, v0  }
0xb7: {  	s16 =	simm.s32 $0x2;
	v2 =	vor.u32 s7, v0;
	v3 =	vmov s15;
	v15 =	vand.u32 $0xF, v5  }
0xb8: {  	v5 =	vadd.s32 s16, v0;
	v4 =	vshll.u32 v2, $0x6;
	v6 =	vor.u32 v3, v11  }
0xb9: {  	v7 =	vor.u32 v3, v15;
	v4 =	vand.u32 $0x1F80, v4;
	v6 =	vshll.u32 v6, $0x7  }
0xba: {  	v5 =	vand.u32 $0xF, v5;
	v4 =	vor.u32 s15, v4;
	v9 =	vor.u32 v2, v6;
	s15 =	simm.s32 $0x1  }
0xbb: {  	v6 =	vshll.u32 v7, $0x7;
	v7 =	vor.u32 v3, v5;
	v8 =	vadd.s32 s15, v0  }
0xbc: {  	v7 =	vshll.u32 v7, $0x7;
	v13 =	vor.u32 v2, v6;
	v6 =	vand.u32 $0xF, v8  }
0xbd: {  	s16 =	simm.s32 $0x4;
	v18 =	vor.u32 v2, v7;
	v7 =	vor.u32 v3, v6  }
0xbe: {  	v8 =	vadd.s32 s16, v0;
	v7 =	vshll.u32 v7, $0x7  }
0xbf: {  	s16 =	simm.s32 $0x7;
	v8 =	vand.u32 $0xF, v8;
	v12 =	vor.u32 v2, v7  }
0xc0: {  	v14 =	vadd.s32 s16, v0;
	v10 =	vor.u32 v3, v8  }
0xc1: {  	v4 =	vor.u32 v1, v4;
	v16 =	vshll.u32 v10, $0x7;
	v7 =	vand.u32 $0xF, v14;
	v10 =	vld.idx.msk [tilespmem:v9+s20+$0x0], $0xffff  }
0xc2: {  	s15 =	simm.s32 $0x6;
	v14 =	vor.u32 v4, v11;
	v9 =	vor.u32 v2, v16;
	v16 =	vor.u32 v3, v7;
	v11 =	vld.idx.msk [tilespmem:v13+s20+$0x0], $0xffff  }
0xc3: {  	v17 =	vadd.s32 s15, v0;
	s15 =	simm.s32 $0x8;
	v15 =	vor.u32 v4, v15;
	s16 =	simm.s32 $0x5;
	v16 =	vshll.u32 v16, $0x7;
	v13 =	vld.idx.msk [tilespmem:v18+s20+$0x0], $0xffff  }
.LBB2_17:
0xc4: {  	p1 =	slt.u32 s15, $0xC;
	v18 =	vadd.s32 s16, v0;
	v19 =	vld.idx.msk [tilespmem:v12+s20+$0x0], $0xffff;
	v20 =	vor.u32 v4, v5;
	v5 =	vand.u32 $0xF, v17  }
0xc5: {  	v17 =	vor.u32 v4, v6;
	v12 =	vor.u32 v3, v5;
	v6 =	vand.u32 $0xF, v18  }
0xc6: {  	v16 =	vor.u32 v2, v16;
	v18 =	vor.u32 v3, v6;
	v12 =	vshll.u32 v12, $0x7  }
0xc7: {  	v21 =	vadd.s32 s15, v0;
	v18 =	vshll.u32 v18, $0x7;
	v22 =	vor.u32 v2, v12;
	[tilespmem:v14+s23+$0x0] =	vst.idx.msk $0xffff, v10  }
.Ltmp11:
0xc8: {  	s7 =	sadd.s32 $0x3, s15;
	v21 =	vand.u32 $0xF, v21;
	v12 =	vor.u32 v2, v18;
	[tilespmem:v15+s23+$0x0] =	vst.idx.msk $0xffff, v11;
	(pc) =	sbr.rel @p1 .LBB2_17-.Ltmp11, $4  }
0xc9: {  	v10 =	vor.u32 v3, v21;
	v11 =	vadd.s32 s7, v0;
	[tilespmem:v20+s23+$0x0] =	vst.idx.msk $0xffff, v13  }
0xca: {  	v13 =	vshll.u32 v10, $0x7;
	v18 =	vand.u32 $0xF, v11;
	v10 =	vld.idx.msk [tilespmem:v9+s20+$0x0], $0xffff;
	[tilespmem:v17+s23+$0x0] =	vst.idx.msk $0xffff, v19  }
0xcb: {  	v14 =	vor.u32 v4, v8;
	s7 =	sadd.s32 $0x2, s15;
	v9 =	vor.u32 v2, v13;
	v13 =	vor.u32 v3, v18;
	v11 =	vld.idx.msk [tilespmem:v16+s20+$0x0], $0xffff  }
0xcc: {  	s16 =	sadd.s32 $0x1, s15;
	v8 =	vmovc v21;
	s15 =	sadd.s32 $0x4, s15;
	v15 =	vor.u32 v4, v7;
	v17 =	vadd.s32 s7, v0;
	v7 =	vmovc v18;
	v16 =	vshll.u32 v13, $0x7;
	v13 =	vld.idx.msk [tilespmem:v22+s20+$0x0], $0xffff  }
0xcd: {  	v18 =	vadd.s32 s16, v0;
	v17 =	vand.u32 $0xF, v17  }
0xce: {  	v18 =	vand.u32 $0xF, v18;
	v19 =	vor.u32 v3, v17  }
0xcf: {  	v16 =	vor.u32 v2, v16;
	v3 =	vor.u32 v3, v18;
	v19 =	vshll.u32 v19, $0x7  }
0xd0: {  	v3 =	vshll.u32 v3, $0x7;
	v19 =	vor.u32 v2, v19  }
0xd1: {  	v5 =	vor.u32 v4, v5;
	v2 =	vor.u32 v2, v3  }
0xd2: {  	v9 =	vld.idx.msk [tilespmem:v9+s20+$0x0], $0xffff;
	v8 =	vor.u32 v4, v8  }
0xd3: {  	v6 =	vor.u32 v4, v6;
	v3 =	vld.idx.msk [tilespmem:v12+s20+$0x0], $0xffff  }
0xd4: {  	v7 =	vor.u32 v4, v7;
	[tilespmem:v14+s23+$0x0] =	vst.idx.msk $0xffff, v10;
	v60 =	vld.idx.msk [tilespmem:v16+s20+$0x0], $0xffff  }
0xd5: {  	s10 =	sadd.s32 $0x1, s10;
	v62 =	vor.u32 v4, v17;
	[tilespmem:v15+s23+$0x0] =	vst.idx.msk $0xffff, v11;
	v61 =	vld.idx.msk [tilespmem:v19+s20+$0x0], $0xffff  }
0xd6: {  	p1 =	sne.s32 s10, $0x20;
	v63 =	vor.u32 v4, v18;
	[tilespmem:v5+s23+$0x0] =	vst.idx.msk $0xffff, v13;
	v2 =	vld.idx.msk [tilespmem:v2+s20+$0x0], $0xffff  }
.Ltmp12:
0xd7: {  	[tilespmem:v8+s23+$0x0] =	vst.idx.msk $0xffff, v9;
	(pc) =	sbr.rel @p1 .LBB2_16-.Ltmp12, $4  }
0xd8: {  	[tilespmem:v6+s23+$0x0] =	vst.idx.msk $0xffff, v3  }
0xd9: {  	[tilespmem:v7+s23+$0x0] =	vst.idx.msk $0xffff, v60  }
0xda: {  	[tilespmem:v62+s23+$0x0] =	vst.idx.msk $0xffff, v61  }
0xdb: {  	[tilespmem:v63+s23+$0x0] =	vst.idx.msk $0xffff, v2  }
0xdc: {  	s7 =	sshll.u32 s8, $0xA  }
0xdd: {  	s7 =	sadd.s32 s4, s7  }
0xde: {  	[hbm4b:s7+s5] =	stream.linear.scatter [tilespmem:s23], [sflag:$0x5], $0x2000, $0x38;
	[tilespmem:$0xC000] =	vst v63  }
.LBB2_20:
0xdf: {  	s7 =	sadd.s32 s13, s1  }
0xe0: {  	p1 =	sgt.u32 s7, $0x1E83  }
0xe1: {  	s3 =	sor.u32 $0x60, s3;
	s7 =	sshll.u32 @!p1 s7, $0x7;
	s8 =	simm.s32 @!p1 $0x400  }
0xe2: {  	s9 =	simm.s32 @!p1 $0x7A1400;
	s10 =	simm.s32 @!p1 $0x4000;
	s7 =	sadd.s32 @!p1 s2, s7  }
0xe3: {  	[tilespmem:s10], [sflag:$0x3] =	stream.strided.gather @!p1 [hbm4b:s7+s8], $0x2000, s9, s8, $0x38;
	[tilespmem:$0xC000] =	vst v63  }
0xe4: {  	p1 =	sgt.u32 s3, $0x1E83  }
.Ltmp13:
0xe5: {  	_ = 	snop;
	(pc) =	sbr.rel @p1 .LBB2_26-.Ltmp13, $1  }
0xe6: {  	_ =	sdelay $0x3  }
0xe7: {  	_ =	swait.ge [sflag:s29], $0x2000  }
0xe8: {  	[sflag:s29] =	ssyncset.done $0x0  }
0xe9: {  	[sflag:s29] =	ssyncadd.s32 $0xFFFFE000  }
0xea: {  	_ =	swait.ge [sflag:s30], $0x2000  }
0xeb: {  	[sflag:s30] =	ssyncset.done $0x0  }
0xec: {  	s8 =	simm.s32 $0x0;
	s9 =	simm.s32 $0x0;
	[sflag:s30] =	ssyncadd.s32 $0xFFFFE000  }
.LBB2_22:
0xed: {  	s7 =	sshll.u32 s9, $0x2;
	s10 =	sshll.u32 s9, $0x4;
	v5 =	vadd.s32 s8, v0;
	s16 =	simm.s32 $0x3  }
0xee: {  	s7 =	sand.u32 $0x70, s7;
	s15 =	sand.u32 $0x30, s10;
	v11 =	vand.u32 $0xF, v5;
	v5 =	vadd.s32 s16, v0  }
0xef: {  	s10 =	simm.s32 $0x2;
	v2 =	vor.u32 s7, v0;
	v3 =	vmov s15;
	v15 =	vand.u32 $0xF, v5  }
0xf0: {  	v5 =	vadd.s32 s10, v0;
	v4 =	vshll.u32 v2, $0x6;
	v6 =	vor.u32 v3, v11  }
0xf1: {  	v7 =	vor.u32 v3, v15;
	v4 =	vand.u32 $0x1F80, v4;
	v6 =	vshll.u32 v6, $0x7  }
0xf2: {  	v5 =	vand.u32 $0xF, v5;
	v4 =	vor.u32 s15, v4;
	v9 =	vor.u32 v2, v6;
	s15 =	simm.s32 $0x1  }
0xf3: {  	v6 =	vshll.u32 v7, $0x7;
	v7 =	vor.u32 v3, v5;
	v8 =	vadd.s32 s15, v0  }
0xf4: {  	v7 =	vshll.u32 v7, $0x7;
	v13 =	vor.u32 v2, v6;
	v6 =	vand.u32 $0xF, v8  }
0xf5: {  	s16 =	simm.s32 $0x4;
	v18 =	vor.u32 v2, v7;
	v7 =	vor.u32 v3, v6  }
0xf6: {  	v8 =	vadd.s32 s16, v0;
	v7 =	vshll.u32 v7, $0x7  }
0xf7: {  	s15 =	simm.s32 $0x7;
	v8 =	vand.u32 $0xF, v8;
	v12 =	vor.u32 v2, v7  }
0xf8: {  	v14 =	vadd.s32 s15, v0;
	v10 =	vor.u32 v3, v8  }
0xf9: {  	v4 =	vor.u32 v1, v4;
	v16 =	vshll.u32 v10, $0x7;
	v7 =	vand.u32 $0xF, v14;
	v10 =	vld.idx.msk [tilespmem:v9+s21+$0x0], $0xffff  }
0xfa: {  	s16 =	simm.s32 $0x6;
	v14 =	vor.u32 v4, v11;
	v9 =	vor.u32 v2, v16;
	v16 =	vor.u32 v3, v7;
	v11 =	vld.idx.msk [tilespmem:v13+s21+$0x0], $0xffff  }
0xfb: {  	s10 =	simm.s32 $0x8;
	s15 =	simm.s32 $0x5;
	v15 =	vor.u32 v4, v15;
	v17 =	vadd.s32 s16, v0;
	v16 =	vshll.u32 v16, $0x7;
	v13 =	vld.idx.msk [tilespmem:v18+s21+$0x0], $0xffff  }
.LBB2_23:
0xfc: {  	p1 =	slt.u32 s10, $0xC;
	v18 =	vadd.s32 s15, v0;
	v19 =	vld.idx.msk [tilespmem:v12+s21+$0x0], $0xffff;
	v20 =	vor.u32 v4, v5;
	v5 =	vand.u32 $0xF, v17  }
0xfd: {  	v17 =	vor.u32 v4, v6;
	v12 =	vor.u32 v3, v5;
	v6 =	vand.u32 $0xF, v18  }
0xfe: {  	v16 =	vor.u32 v2, v16;
	v18 =	vor.u32 v3, v6;
	v12 =	vshll.u32 v12, $0x7  }
0xff: {  	v21 =	vadd.s32 s10, v0;
	v18 =	vshll.u32 v18, $0x7;
	v22 =	vor.u32 v2, v12;
	[tilespmem:v14+s25+$0x0] =	vst.idx.msk $0xffff, v10  }
.Ltmp14:
0x100: {  	s7 =	sadd.s32 $0x3, s10;
	v21 =	vand.u32 $0xF, v21;
	v12 =	vor.u32 v2, v18;
	[tilespmem:v15+s25+$0x0] =	vst.idx.msk $0xffff, v11;
	(pc) =	sbr.rel @p1 .LBB2_23-.Ltmp14, $4  }
0x101: {  	v10 =	vor.u32 v3, v21;
	v11 =	vadd.s32 s7, v0;
	[tilespmem:v20+s25+$0x0] =	vst.idx.msk $0xffff, v13  }
0x102: {  	v13 =	vshll.u32 v10, $0x7;
	v18 =	vand.u32 $0xF, v11;
	v10 =	vld.idx.msk [tilespmem:v9+s21+$0x0], $0xffff;
	[tilespmem:v17+s25+$0x0] =	vst.idx.msk $0xffff, v19  }
0x103: {  	v14 =	vor.u32 v4, v8;
	s7 =	sadd.s32 $0x2, s10;
	v9 =	vor.u32 v2, v13;
	v13 =	vor.u32 v3, v18;
	v11 =	vld.idx.msk [tilespmem:v16+s21+$0x0], $0xffff  }
0x104: {  	s15 =	sadd.s32 $0x1, s10;
	v8 =	vmovc v21;
	s10 =	sadd.s32 $0x4, s10;
	v15 =	vor.u32 v4, v7;
	v17 =	vadd.s32 s7, v0;
	v7 =	vmovc v18;
	v16 =	vshll.u32 v13, $0x7;
	v13 =	vld.idx.msk [tilespmem:v22+s21+$0x0], $0xffff  }
0x105: {  	v18 =	vadd.s32 s15, v0;
	v17 =	vand.u32 $0xF, v17  }
0x106: {  	v18 =	vand.u32 $0xF, v18;
	v19 =	vor.u32 v3, v17  }
0x107: {  	v16 =	vor.u32 v2, v16;
	v3 =	vor.u32 v3, v18;
	v19 =	vshll.u32 v19, $0x7  }
0x108: {  	v3 =	vshll.u32 v3, $0x7;
	v19 =	vor.u32 v2, v19  }
0x109: {  	v5 =	vor.u32 v4, v5;
	v2 =	vor.u32 v2, v3  }
0x10a: {  	v9 =	vld.idx.msk [tilespmem:v9+s21+$0x0], $0xffff;
	v8 =	vor.u32 v4, v8  }
0x10b: {  	v6 =	vor.u32 v4, v6;
	v3 =	vld.idx.msk [tilespmem:v12+s21+$0x0], $0xffff  }
0x10c: {  	v7 =	vor.u32 v4, v7;
	[tilespmem:v14+s25+$0x0] =	vst.idx.msk $0xffff, v10;
	v60 =	vld.idx.msk [tilespmem:v16+s21+$0x0], $0xffff  }
0x10d: {  	s9 =	sadd.s32 $0x1, s9;
	v62 =	vor.u32 v4, v17;
	[tilespmem:v15+s25+$0x0] =	vst.idx.msk $0xffff, v11;
	v61 =	vld.idx.msk [tilespmem:v19+s21+$0x0], $0xffff  }
0x10e: {  	p1 =	sne.s32 s9, $0x20;
	v63 =	vor.u32 v4, v18;
	[tilespmem:v5+s25+$0x0] =	vst.idx.msk $0xffff, v13;
	v2 =	vld.idx.msk [tilespmem:v2+s21+$0x0], $0xffff  }
.Ltmp15:
0x10f: {  	[tilespmem:v8+s25+$0x0] =	vst.idx.msk $0xffff, v9;
	(pc) =	sbr.rel @p1 .LBB2_22-.Ltmp15, $4  }
0x110: {  	[tilespmem:v6+s25+$0x0] =	vst.idx.msk $0xffff, v3  }
0x111: {  	[tilespmem:v7+s25+$0x0] =	vst.idx.msk $0xffff, v60  }
0x112: {  	[tilespmem:v62+s25+$0x0] =	vst.idx.msk $0xffff, v61  }
0x113: {  	[tilespmem:v63+s25+$0x0] =	vst.idx.msk $0xffff, v2  }
.Ltmp16:
0x114: {  	(pc) =	sbr.rel .LBB2_26-.Ltmp16, $4  }
0x115: {  	_ = 	snop  }
0x116: {  	s3 =	sshll.u32 s3, $0xA  }
0x117: {  	s3 =	sadd.s32 s4, s3  }
0x118: {  	[hbm4b:s3+s5] =	stream.linear.scatter [tilespmem:s25], [sflag:$0x6], $0x2000, $0x38;
	[tilespmem:$0xC000] =	vst v63  }
.LBB2_28:
0x119: {  	_ =	sfence.sel $0x180000  }
0x11a: {  	[bflag:$0x0] =	sbarrier.arrive $0xFFFF  }
0x11b: {  	_ =	strace $0x90000047  }
0x11c: {  	s0 =	stileid.u32;
	[bflag:$0x2] =	sbarrier.arrive $0xFFFF  }
0x11d: {  	p0 =	sne.s32 s0, $0x0;
	s0 =	rddreg [dreg:$0x3]  }
0x11e: {  	s0 =	sadd.s32 @!p0 $0x100000, s0  }
0x11f: {  	[sflag:s0] =	ssyncadd.tile.s32 @!p0 $0x1;
	_ =	shalt  }
.Lfunc_end2:
_tile_overlayer_lowered:
.L_overlay_start_2:
0x120: {  	(tag) =	ssettag $0x2  }
0x121: {  	s0 =	rddreg [dreg:$0x0];
	s2 =	stileid.u32  }
0x122: {  	s1 =	rddreg [dreg:$0x1];
	p0 =	sne.s32 s2, $0x0  }
0x123: {  	s3 =	rddreg [dreg:$0x2];
	[bflag:$0x3] =	sbarrier.arrive $0xFFFF;
	s2 =	simm.s32 @!p0 $0x1C07  }
0x124: {  	[timem:s3], [sflag:s2] =	dma.local @!p0 [hbm:s0], s1  }
0x125: {  	s0 =	simm.s32 @!p0 $0x7  }
0x126: {  	_ =	swait.ge @!p0 [sflag:s0], s1  }
0x127: {  	s1 =	ssub.s32 @!p0 $0x0, s1;
	[sflag:s0] =	ssyncset.done @!p0 $0x0  }
0x128: {  	[sflag:s0] =	ssyncadd.s32 @!p0 s1  }
0x129: {  	[bflag:$0x3] =	sbarrier.arrive $0xFFFF  }
0x12a: {  	_ =	shalt  }

</sc_bundles>
